<compile_context>
chip_gen: v7x
topology: tpu7x:2x2x1
jax: 0.10.2.dev20260603
libtpu: 0.0.44.dev20260713+nightly
codegen_flags: <defaults>
</compile_context>

<pallas_src>
import functools

import jax
import jax.numpy as jnp
from jax import lax
from jax.experimental import pallas as pl
from jax.experimental.pallas import tpu as pltpu
from jax.experimental.pallas import tpu_sc as plsc

N_NODES = 10000
N_EDGES = 320000
D = 128
D_EDGE = 16

NC = 2
NS = 16
NW = NC * NS
E_PER_W = N_EDGES // NW
K = 40
N_CH = E_PER_W // K
NB = 2
N_GRP = N_CH // NB
ROWS_PER_TILE = 624
ROWS_TAIL = N_NODES - NS * ROWS_PER_TILE

_mesh = plsc.VectorSubcoreMesh(core_axis_name="c", subcore_axis_name="s")
_f32 = jnp.float32


def _pre_body(x_ref, wa_ref, wb_ref, os_ref, ot_ref):
    xv = x_ref[...]
    os_ref[...] = jnp.dot(xv, wa_ref[...], preferred_element_type=_f32)
    ot_ref[...] = jnp.dot(xv, wb_ref[...], preferred_element_type=_f32)


@functools.partial(
    pl.kernel,
    out_type=(jax.ShapeDtypeStruct((N_EDGES, D), _f32),
              jax.ShapeDtypeStruct((N_EDGES, D), _f32)),
    mesh=_mesh,
    scratch_types=[
        pltpu.VMEM((E_PER_W,), jnp.int32),
        pltpu.VMEM((E_PER_W,), jnp.int32),
        pltpu.VMEM((NB, K, D), _f32),
        pltpu.VMEM((NB, K, D), _f32),
        pltpu.SemaphoreType.DMA((NB,)),
        pltpu.SemaphoreType.DMA((NB,)),
    ],
)
def _sc_gather(xs1_h, xt1_h, src_h, dst_h, os_h, ot_h,
               idxs_all, idxt_all, rows_s, rows_t, gsem, wsem):
    wid = lax.axis_index("s") * NC + lax.axis_index("c")
    base = wid * E_PER_W
    pltpu.sync_copy(src_h.at[pl.ds(base, E_PER_W)], idxs_all)
    pltpu.sync_copy(dst_h.at[pl.ds(base, E_PER_W)], idxt_all)

    def group(g, carry):
        descs = []
        for b in range(NB):
            c = g * NB + b

            @pl.when(g > 0)
            def _drain_writeout(b=b):
                pltpu.make_async_copy(xs1_h.at[pl.ds(0, K)], rows_s.at[b],
                                      wsem.at[b]).wait()
                pltpu.make_async_copy(xs1_h.at[pl.ds(0, K)], rows_t.at[b],
                                      wsem.at[b]).wait()

            loff = c * K
            cs = pltpu.async_copy(xs1_h.at[idxs_all.at[pl.ds(loff, K)]],
                                  rows_s.at[b], gsem.at[b])
            ct = pltpu.async_copy(xt1_h.at[idxt_all.at[pl.ds(loff, K)]],
                                  rows_t.at[b], gsem.at[b])
            descs.append((cs, ct))
        for b in range(NB):
            c = g * NB + b
            off = base + c * K
            cs, ct = descs[b]
            cs.wait()
            ct.wait()
            pltpu.async_copy(rows_s.at[b], os_h.at[pl.ds(off, K)], wsem.at[b])
            pltpu.async_copy(rows_t.at[b], ot_h.at[pl.ds(off, K)], wsem.at[b])
        return carry

    lax.fori_loop(0, N_GRP, group, 0)
    for b in range(NB):
        pltpu.make_async_copy(xs1_h.at[pl.ds(0, K)], rows_s.at[b],
                              wsem.at[b]).wait()
        pltpu.make_async_copy(xs1_h.at[pl.ds(0, K)], rows_t.at[b],
                              wsem.at[b]).wait()


def _edge_mlp_body(ts_ref, tt_ref, ef_ref, w1e_ref, b1_ref, w2_ref, b2_ref,
                   out_ref):
    h = (ts_ref[...] + tt_ref[...]
         + jnp.dot(ef_ref[...], w1e_ref[...], preferred_element_type=_f32)
         + b1_ref[...])
    h = h * jax.nn.sigmoid(h)
    f = jnp.dot(h, w2_ref[...], preferred_element_type=_f32) + b2_ref[...]
    out_ref[...] = f * jax.nn.sigmoid(f)


@functools.partial(
    pl.kernel,
    out_type=jax.ShapeDtypeStruct((NC, N_NODES, D), _f32),
    mesh=_mesh,
    scratch_types=[
        pltpu.VMEM((N_CH, K), jnp.int32),
        pltpu.VMEM((NB, K, D), _f32),
        pltpu.SemaphoreType.DMA((NB,)),
        pltpu.SemaphoreType.DMA((NB,)),
        pltpu.VMEM_SHARED((N_NODES, D), _f32),
    ],
)
def _sc_scatter(zeros_h, src3_h, f_h, out_h, idx2d, rows, rsem, ssem, table):
    core = lax.axis_index("c")
    sid = lax.axis_index("s")
    wid = sid * NC + core
    pltpu.sync_copy(src3_h.at[wid], idx2d)
    row0 = sid * ROWS_PER_TILE
    pltpu.sync_copy(zeros_h.at[pl.ds(row0, ROWS_PER_TILE)],
                    table.at[pl.ds(row0, ROWS_PER_TILE)])
    tail0 = NS * ROWS_PER_TILE

    @pl.when(sid == 0)
    def _zero_tail():
        pltpu.sync_copy(zeros_h.at[pl.ds(tail0, ROWS_TAIL)],
                        table.at[pl.ds(tail0, ROWS_TAIL)])

    plsc.subcore_barrier()

    base = wid * E_PER_W

    def group(g, carry):
        descs = []
        for b in range(NB):
            c = g * NB + b

            @pl.when(g > 0)
            def _drain_scatter(b=b):
                pltpu.make_async_copy(f_h.at[pl.ds(0, K)], rows.at[b],
                                      ssem.at[b]).wait()

            off = base + c * K
            descs.append(pltpu.async_copy(f_h.at[pl.ds(off, K)], rows.at[b],
                                          rsem.at[b]))
        for b in range(NB):
            c = g * NB + b
            descs[b].wait()
            pltpu.async_copy(rows.at[b], table.at[idx2d.at[c]], ssem.at[b],
                             add=True)
        return carry

    lax.fori_loop(0, N_GRP, group, 0)
    for b in range(NB):
        pltpu.make_async_copy(f_h.at[pl.ds(0, K)], rows.at[b],
                              ssem.at[b]).wait()
    plsc.subcore_barrier()
    pltpu.sync_copy(table.at[pl.ds(row0, ROWS_PER_TILE)],
                    out_h.at[core, pl.ds(row0, ROWS_PER_TILE)])

    @pl.when(sid == 0)
    def _write_tail():
        pltpu.sync_copy(table.at[pl.ds(tail0, ROWS_TAIL)],
                        out_h.at[core, pl.ds(tail0, ROWS_TAIL)])


def _node_mlp_body(x_ref, p_ref, w1x_ref, w1a_ref, b1_ref, w2_ref, b2_ref,
                   out_ref):
    agg = p_ref[0] + p_ref[1]
    h = (jnp.dot(x_ref[...], w1x_ref[...], preferred_element_type=_f32)
         + jnp.dot(agg, w1a_ref[...], preferred_element_type=_f32)
         + b1_ref[...])
    h = h * jax.nn.sigmoid(h)
    out_ref[...] = (jnp.dot(h, w2_ref[...], preferred_element_type=_f32)
                    + b2_ref[...])


def kernel(x, edge_features, edge_idx, We1, be1, We2, be2,
           Wn1, bn1, Wn2, bn2):
    src = edge_idx[0].astype(jnp.int32)
    dst = edge_idx[1].astype(jnp.int32)
    We1a = We1[:D]
    We1b = We1[D:2 * D]
    We1e = We1[2 * D:]
    Wn1x = Wn1[:D]
    Wn1a = Wn1[D:]
    b1e = be1.reshape(1, D)
    b2e = be2.reshape(1, D)
    b1n = bn1.reshape(1, D)
    b2n = bn2.reshape(1, D)
    zeros = jnp.zeros((N_NODES, D), _f32)

    xs1, xt1 = pl.pallas_call(
        _pre_body,
        out_shape=(jax.ShapeDtypeStruct((N_NODES, D), _f32),
                   jax.ShapeDtypeStruct((N_NODES, D), _f32)),
    )(x, We1a, We1b)

    tmp_s, tmp_t = _sc_gather(xs1, xt1, src, dst)

    E_BLK = 4000
    f = pl.pallas_call(
        _edge_mlp_body,
        grid=(N_EDGES // E_BLK,),
        in_specs=[
            pl.BlockSpec((E_BLK, D), lambda i: (i, 0)),
            pl.BlockSpec((E_BLK, D), lambda i: (i, 0)),
            pl.BlockSpec((E_BLK, D_EDGE), lambda i: (i, 0)),
            pl.BlockSpec((D_EDGE, D), lambda i: (0, 0)),
            pl.BlockSpec((1, D), lambda i: (0, 0)),
            pl.BlockSpec((D, D), lambda i: (0, 0)),
            pl.BlockSpec((1, D), lambda i: (0, 0)),
        ],
        out_specs=pl.BlockSpec((E_BLK, D), lambda i: (i, 0)),
        out_shape=jax.ShapeDtypeStruct((N_EDGES, D), _f32),
    )(tmp_s, tmp_t, edge_features, We1e, b1e, We2, b2e)

    src3 = src.reshape(NW, N_CH, K)
    partials = _sc_scatter(zeros, src3, f)

    N_BLK = 2000
    out = pl.pallas_call(
        _node_mlp_body,
        grid=(N_NODES // N_BLK,),
        in_specs=[
            pl.BlockSpec((N_BLK, D), lambda i: (i, 0)),
            pl.BlockSpec((NC, N_BLK, D), lambda i: (0, i, 0)),
            pl.BlockSpec((D, D), lambda i: (0, 0)),
            pl.BlockSpec((D, D), lambda i: (0, 0)),
            pl.BlockSpec((1, D), lambda i: (0, 0)),
            pl.BlockSpec((D, D), lambda i: (0, 0)),
            pl.BlockSpec((1, D), lambda i: (0, 0)),
        ],
        out_specs=pl.BlockSpec((N_BLK, D), lambda i: (i, 0)),
        out_shape=jax.ShapeDtypeStruct((N_NODES, D), _f32),
    )(x, partials, Wn1x, Wn1a, b1n, Wn2, b2n)
    return out

# --- scband reference (transcript-rebuilt; emitter-appended) ---
"""Pipeline reference for scband-gnnlayer-71193377898817 (READ-ONLY COPY).

The authoritative reference and input builder live on the scoring server;
editing this copy changes nothing except your own understanding.
"""

import jax, jax.numpy as jnp
import numpy as np

N_NODES = 10000
N_EDGES = 320000
D_NODE = 128
D_EDGE = 16
D_HID = 128
D_OUT = 128


def setup_inputs(seed: int = 0) -> dict:
    key = jax.random.key(seed)
    ks = jax.random.split(key, 12)
    x = jax.random.normal(ks[0], (N_NODES, D_NODE), dtype=jnp.float32)
    edge_features = jax.random.normal(ks[1], (N_EDGES, D_EDGE), dtype=jnp.float32)
    edge_idx = jax.random.randint(ks[2], (2, N_EDGES), 0, N_NODES, dtype=jnp.int64 if jax.config.jax_enable_x64 else jnp.int32)
    # edge_mlp params: Linear(2*D_NODE+D_EDGE -> D_HID), Linear(D_HID -> D_HID)
    We1 = jax.random.normal(ks[3], (2 * D_NODE + D_EDGE, D_HID), dtype=jnp.float32) * 0.05
    be1 = jax.random.normal(ks[4], (D_HID,), dtype=jnp.float32) * 0.05
    We2 = jax.random.normal(ks[5], (D_HID, D_HID), dtype=jnp.float32) * 0.05
    be2 = jax.random.normal(ks[6], (D_HID,), dtype=jnp.float32) * 0.05
    # node_mlp params: Linear(D_HID+D_NODE -> D_HID), Linear(D_HID -> D_OUT)
    Wn1 = jax.random.normal(ks[7], (D_HID + D_NODE, D_HID), dtype=jnp.float32) * 0.05
    bn1 = jax.random.normal(ks[8], (D_HID,), dtype=jnp.float32) * 0.05
    Wn2 = jax.random.normal(ks[9], (D_HID, D_OUT), dtype=jnp.float32) * 0.05
    bn2 = jax.random.normal(ks[10], (D_OUT,), dtype=jnp.float32) * 0.05
    return {"x": x, "edge_features": edge_features, "edge_idx": edge_idx,
            "We1": We1, "be1": be1, "We2": We2, "be2": be2,
            "Wn1": Wn1, "bn1": bn1, "Wn2": Wn2, "bn2": bn2}


def reference(x, edge_features, edge_idx, We1, be1, We2, be2, Wn1, bn1, Wn2, bn2):
    # edge_model: gather source/target node features, concat with edge_attr, MLP
    source = jnp.take(x, edge_idx[0], axis=0)
    target = jnp.take(x, edge_idx[1], axis=0)
    edge_in = jnp.concatenate([source, target, edge_features], axis=-1)
    h = jax.nn.silu(edge_in @ We1 + be1)
    edge_feat = jax.nn.silu(h @ We2 + be2)
    # node_model: unsorted_segment_sum over dst (row = edge_idx[0]), concat with h, MLP
    agg = jnp.zeros((x.shape[0], edge_feat.shape[1]), dtype=x.dtype).at[edge_idx[0]].add(edge_feat)
    node_in = jnp.concatenate([x, agg], axis=-1)
    out = jax.nn.silu(node_in @ Wn1 + bn1)
    out = out @ Wn2 + bn2
    return out

if __name__ == "__main__":
    import jax
    _d = setup_inputs()
    print(jax.jit(kernel)(*tuple(_d.values())))

</pallas_src>

<mosaic_0001>
#map = affine_map<(d0, d1) -> (0, 0)>
#map1 = affine_map<(d0, d1) -> (0, 0, 0)>
module attributes {stable_mosaic.version = 14 : i64} {
  func.func @_sc_scatter(%arg0: i32, %arg1: i32, %arg2: memref<10000x128xf32, #tpu.memory_space<hbm>>, %arg3: memref<32x250x40xi32, #tpu.memory_space<hbm>>, %arg4: memref<320000x128xf32, #tpu.memory_space<hbm>>, %arg5: memref<2x10000x128xf32, #tpu.memory_space<hbm>>, %arg6: memref<250x40xi32, #tpu.memory_space<vmem>>, %arg7: memref<2x40x128xf32, #tpu.memory_space<vmem>>, %arg8: memref<2x!tpu.dma_semaphore, #tpu.memory_space<semaphore_mem>>, %arg9: memref<2x!tpu.dma_semaphore, #tpu.memory_space<semaphore_mem>>, %arg10: memref<10000x128xf32, #tpu.memory_space<vmem_shared>>) attributes {dimension_semantics = [#tpu.dimension_semantics<core_parallel>, #tpu.dimension_semantics<subcore_parallel>], iteration_bounds = array<i64: 2, 16>, scalar_prefetch = 0 : i64, scratch_operands = 5 : i64, tpu.core_type = #tpu.core_type<sc_vector_subcore>, window_params = [{transform_indices = #map}, {transform_indices = #map1}, {transform_indices = #map}, {transform_indices = #map1}]} {
    %mul3A = arith.constant 2 : i32
    %mul3A_0 = arith.muli %arg1, %mul3A : i32
    %add3A = arith.addi %mul3A_0, %arg0 : i32
    "tpu.region"() ({
      %run_scoped3A = tpu.sem_alloc : memref<!tpu.dma_semaphore, #tpu.memory_space<semaphore_mem>>
      %dma_start3A = arith.constant 0 : i32
      %dma_start3A_53 = arith.constant 0 : i32
      %dma_start3A_54 = tpu.memref_slice %arg3[%add3A, %dma_start3A, %dma_start3A_53] : memref<32x250x40xi32, #tpu.memory_space<hbm>> -> memref<1x250x40xi32, #tpu.memory_space<hbm>>
      %dma_start3A_55 = tpu.memref_squeeze %dma_start3A_54 : memref<1x250x40xi32, #tpu.memory_space<hbm>> -> memref<250x40xi32, #tpu.memory_space<hbm>>
      %dma_start3A_56 = arith.constant 0 : i32
      %dma_start3A_57 = arith.constant 0 : i32
      %dma_start3A_58 = tpu.memref_slice %arg3[%add3A, %dma_start3A_56, %dma_start3A_57] : memref<32x250x40xi32, #tpu.memory_space<hbm>> -> memref<1x250x40xi32, #tpu.memory_space<hbm>>
      %dma_start3A_59 = tpu.memref_squeeze %dma_start3A_58 : memref<1x250x40xi32, #tpu.memory_space<hbm>> -> memref<250x40xi32, #tpu.memory_space<hbm>>
      tpu.enqueue_dma source(%dma_start3A_59 : memref<250x40xi32, #tpu.memory_space<hbm>>) target(%arg6 : memref<250x40xi32, #tpu.memory_space<vmem>>) target_semaphore(%run_scoped3A : memref<!tpu.dma_semaphore, #tpu.memory_space<semaphore_mem>>)
      %dma_wait3A_60 = arith.constant 0 : i32
      %dma_wait3A_61 = arith.constant 0 : i32
      %dma_wait3A_62 = tpu.memref_slice %arg3[%add3A, %dma_wait3A_60, %dma_wait3A_61] : memref<32x250x40xi32, #tpu.memory_space<hbm>> -> memref<1x250x40xi32, #tpu.memory_space<hbm>>
      %dma_wait3A_63 = tpu.memref_squeeze %dma_wait3A_62 : memref<1x250x40xi32, #tpu.memory_space<hbm>> -> memref<250x40xi32, #tpu.memory_space<hbm>>
      %dma_wait3A_64 = arith.constant 0 : i32
      %dma_wait3A_65 = arith.constant 0 : i32
      %dma_wait3A_66 = tpu.memref_slice %arg3[%add3A, %dma_wait3A_64, %dma_wait3A_65] : memref<32x250x40xi32, #tpu.memory_space<hbm>> -> memref<1x250x40xi32, #tpu.memory_space<hbm>>
      %dma_wait3A_67 = tpu.memref_squeeze %dma_wait3A_66 : memref<1x250x40xi32, #tpu.memory_space<hbm>> -> memref<250x40xi32, #tpu.memory_space<hbm>>
      tpu.wait_dma2 semaphore(%run_scoped3A : memref<!tpu.dma_semaphore, #tpu.memory_space<semaphore_mem>>) src(%dma_wait3A_67 : memref<250x40xi32, #tpu.memory_space<hbm>>) dst(%arg6 : memref<250x40xi32, #tpu.memory_space<vmem>>)
      tpu.yield
    }) : () -> ()
    %mul3A_1 = arith.constant 624 : i32
    %mul3A_2 = arith.muli %arg1, %mul3A_1 : i32
    "tpu.region"() ({
      %run_scoped3A = tpu.sem_alloc : memref<!tpu.dma_semaphore, #tpu.memory_space<semaphore_mem>>
      %dma_start3A = arith.constant 0 : i32
      %dma_start3A_53 = tpu.memref_slice %arg10[%mul3A_2, %dma_start3A] : memref<10000x128xf32, #tpu.memory_space<vmem_shared>> -> memref<624x128xf32, #tpu.memory_space<vmem_shared>>
      %dma_start3A_54 = arith.constant 0 : i32
      %dma_start3A_55 = tpu.memref_slice %arg2[%mul3A_2, %dma_start3A_54] : memref<10000x128xf32, #tpu.memory_space<hbm>> -> memref<624x128xf32, #tpu.memory_space<hbm>>
      tpu.enqueue_dma source(%dma_start3A_55 : memref<624x128xf32, #tpu.memory_space<hbm>>) target(%dma_start3A_53 : memref<624x128xf32, #tpu.memory_space<vmem_shared>>) target_semaphore(%run_scoped3A : memref<!tpu.dma_semaphore, #tpu.memory_space<semaphore_mem>>)
      %dma_wait3A_56 = arith.constant 0 : i32
      %dma_wait3A_57 = tpu.memref_slice %arg10[%mul3A_2, %dma_wait3A_56] : memref<10000x128xf32, #tpu.memory_space<vmem_shared>> -> memref<624x128xf32, #tpu.memory_space<vmem_shared>>
      %dma_wait3A_58 = arith.constant 0 : i32
      %dma_wait3A_59 = tpu.memref_slice %arg2[%mul3A_2, %dma_wait3A_58] : memref<10000x128xf32, #tpu.memory_space<hbm>> -> memref<624x128xf32, #tpu.memory_space<hbm>>
      tpu.wait_dma2 semaphore(%run_scoped3A : memref<!tpu.dma_semaphore, #tpu.memory_space<semaphore_mem>>) src(%dma_wait3A_59 : memref<624x128xf32, #tpu.memory_space<hbm>>) dst(%dma_wait3A_57 : memref<624x128xf32, #tpu.memory_space<vmem_shared>>)
      tpu.yield
    }) : () -> ()
    %eq3A = arith.constant 0 : i32
    %eq3A_3 = arith.cmpi eq, %arg1, %eq3A : i32
    %convert_element_type3A = arith.extui %eq3A_3 : i1 to i32
    %cond3A = arith.constant 0 : i32
    %cond3A_4 = arith.cmpi ne, %convert_element_type3A, %cond3A : i32
    scf.if %cond3A_4 {
      "tpu.region"() ({
        %run_scoped3A = tpu.sem_alloc : memref<!tpu.dma_semaphore, #tpu.memory_space<semaphore_mem>>
        %dma_start3A = arith.constant 9984 : i32
        %dma_start3A_53 = arith.constant 0 : i32
        %dma_start3A_54 = tpu.memref_slice %arg10[%dma_start3A, %dma_start3A_53] : memref<10000x128xf32, #tpu.memory_space<vmem_shared>> -> memref<16x128xf32, #tpu.memory_space<vmem_shared>>
        %dma_start3A_55 = arith.constant 9984 : i32
        %dma_start3A_56 = arith.constant 0 : i32
        %dma_start3A_57 = tpu.memref_slice %arg2[%dma_start3A_55, %dma_start3A_56] : memref<10000x128xf32, #tpu.memory_space<hbm>> -> memref<16x128xf32, #tpu.memory_space<hbm>>
        tpu.enqueue_dma source(%dma_start3A_57 : memref<16x128xf32, #tpu.memory_space<hbm>>) target(%dma_start3A_54 : memref<16x128xf32, #tpu.memory_space<vmem_shared>>) target_semaphore(%run_scoped3A : memref<!tpu.dma_semaphore, #tpu.memory_space<semaphore_mem>>)
        %dma_wait3A_58 = arith.constant 9984 : i32
        %dma_wait3A_59 = arith.constant 0 : i32
        %dma_wait3A_60 = tpu.memref_slice %arg10[%dma_wait3A_58, %dma_wait3A_59] : memref<10000x128xf32, #tpu.memory_space<vmem_shared>> -> memref<16x128xf32, #tpu.memory_space<vmem_shared>>
        %dma_wait3A_61 = arith.constant 9984 : i32
        %dma_wait3A_62 = arith.constant 0 : i32
        %dma_wait3A_63 = tpu.memref_slice %arg2[%dma_wait3A_61, %dma_wait3A_62] : memref<10000x128xf32, #tpu.memory_space<hbm>> -> memref<16x128xf32, #tpu.memory_space<hbm>>
        tpu.wait_dma2 semaphore(%run_scoped3A : memref<!tpu.dma_semaphore, #tpu.memory_space<semaphore_mem>>) src(%dma_wait3A_63 : memref<16x128xf32, #tpu.memory_space<hbm>>) dst(%dma_wait3A_60 : memref<16x128xf32, #tpu.memory_space<vmem_shared>>)
        tpu.yield
      }) : () -> ()
    } else {
    }
    %barrier3A = arith.constant 0 : index
    tpu.barrier barrier_id(%barrier3A)
    %mul3A_5 = arith.constant 10000 : i32
    %mul3A_6 = arith.muli %add3A, %mul3A_5 : i32
    %scan3A = arith.constant 0 : i32
    %scan3A_7 = arith.constant 0 : i32
    %scan3A_8 = arith.constant 125 : i32
    %scan3A_9 = arith.addi %scan3A_7, %scan3A_8 : i32
    %scan3A_10 = arith.constant 1 : i32
    scf.for %scan3A_53 = %scan3A_7 to %scan3A_9 step %scan3A_10  : i32 {
      %mul3A_54 = arith.constant 2 : i32
      %mul3A_55 = arith.muli %scan3A_53, %mul3A_54 : i32
      %add3A_56 = arith.constant 0 : i32
      %add3A_57 = arith.addi %mul3A_55, %add3A_56 : i32
      %gt3A = arith.constant 0 : i32
      %gt3A_58 = arith.cmpi sgt, %scan3A_53, %gt3A : i32
      %convert_element_type3A_59 = arith.extui %gt3A_58 : i1 to i32
      %cond3A_60 = arith.constant 0 : i32
      %cond3A_61 = arith.cmpi ne, %convert_element_type3A_59, %cond3A_60 : i32
      scf.if %cond3A_61 {
        %dma_wait3A_176 = arith.constant 0 : i32
        %dma_wait3A_177 = arith.constant 0 : i32
        %dma_wait3A_178 = arith.constant 0 : i32
        %dma_wait3A_179 = arith.constant 0 : i32
        %dma_wait3A_180 = tpu.memref_slice %arg7[%dma_wait3A_176, %dma_wait3A_178, %dma_wait3A_179] : memref<2x40x128xf32, #tpu.memory_space<vmem>> -> memref<1x40x128xf32, #tpu.memory_space<vmem>>
        %dma_wait3A_181 = tpu.memref_squeeze %dma_wait3A_180 : memref<1x40x128xf32, #tpu.memory_space<vmem>> -> memref<40x128xf32, #tpu.memory_space<vmem>>
        %dma_wait3A_182 = arith.constant 0 : i32
        %dma_wait3A_183 = arith.constant 0 : i32
        %dma_wait3A_184 = tpu.memref_slice %arg4[%dma_wait3A_182, %dma_wait3A_183] : memref<320000x128xf32, #tpu.memory_space<hbm>> -> memref<40x128xf32, #tpu.memory_space<hbm>>
        %dma_wait3A_185 = tpu.memref_slice %arg9[%dma_wait3A_177] : memref<2x!tpu.dma_semaphore, #tpu.memory_space<semaphore_mem>> -> memref<1x!tpu.dma_semaphore, #tpu.memory_space<semaphore_mem>>
        %dma_wait3A_186 = tpu.memref_squeeze %dma_wait3A_185 : memref<1x!tpu.dma_semaphore, #tpu.memory_space<semaphore_mem>> -> memref<!tpu.dma_semaphore, #tpu.memory_space<semaphore_mem>>
        %dma_wait3A_187 = arith.constant 0 : i32
        %dma_wait3A_188 = arith.constant 0 : i32
        %dma_wait3A_189 = tpu.memref_slice %arg7[%dma_wait3A_176, %dma_wait3A_187, %dma_wait3A_188] : memref<2x40x128xf32, #tpu.memory_space<vmem>> -> memref<1x40x128xf32, #tpu.memory_space<vmem>>
        %dma_wait3A_190 = tpu.memref_squeeze %dma_wait3A_189 : memref<1x40x128xf32, #tpu.memory_space<vmem>> -> memref<40x128xf32, #tpu.memory_space<vmem>>
        %dma_wait3A_191 = arith.constant 0 : i32
        %dma_wait3A_192 = arith.constant 0 : i32
        %dma_wait3A_193 = tpu.memref_slice %arg4[%dma_wait3A_191, %dma_wait3A_192] : memref<320000x128xf32, #tpu.memory_space<hbm>> -> memref<40x128xf32, #tpu.memory_space<hbm>>
        tpu.wait_dma2 semaphore(%dma_wait3A_186 : memref<!tpu.dma_semaphore, #tpu.memory_space<semaphore_mem>>) src(%dma_wait3A_193 : memref<40x128xf32, #tpu.memory_space<hbm>>) dst(%dma_wait3A_190 : memref<40x128xf32, #tpu.memory_space<vmem>>)
      } else {
      }
      %mul3A_62 = arith.constant 40 : i32
      %mul3A_63 = arith.muli %add3A_57, %mul3A_62 : i32
      %add3A_64 = arith.addi %mul3A_6, %mul3A_63 : i32
      %dma_start3A = arith.constant 0 : i32
      %dma_start3A_65 = arith.constant 0 : i32
      %dma_start3A_66 = arith.constant 0 : i32
      %dma_start3A_67 = arith.constant 0 : i32
      %dma_start3A_68 = tpu.memref_slice %arg7[%dma_start3A, %dma_start3A_66, %dma_start3A_67] : memref<2x40x128xf32, #tpu.memory_space<vmem>> -> memref<1x40x128xf32, #tpu.memory_space<vmem>>
      %dma_start3A_69 = tpu.memref_squeeze %dma_start3A_68 : memref<1x40x128xf32, #tpu.memory_space<vmem>> -> memref<40x128xf32, #tpu.memory_space<vmem>>
      %dma_start3A_70 = arith.constant 0 : i32
      %dma_start3A_71 = tpu.memref_slice %arg4[%add3A_64, %dma_start3A_70] : memref<320000x128xf32, #tpu.memory_space<hbm>> -> memref<40x128xf32, #tpu.memory_space<hbm>>
      %dma_start3A_72 = tpu.memref_slice %arg8[%dma_start3A_65] : memref<2x!tpu.dma_semaphore, #tpu.memory_space<semaphore_mem>> -> memref<1x!tpu.dma_semaphore, #tpu.memory_space<semaphore_mem>>
      %dma_start3A_73 = tpu.memref_squeeze %dma_start3A_72 : memref<1x!tpu.dma_semaphore, #tpu.memory_space<semaphore_mem>> -> memref<!tpu.dma_semaphore, #tpu.memory_space<semaphore_mem>>
      %dma_start3A_74 = arith.constant 0 : i32
      %dma_start3A_75 = arith.constant 0 : i32
      %dma_start3A_76 = tpu.memref_slice %arg7[%dma_start3A, %dma_start3A_74, %dma_start3A_75] : memref<2x40x128xf32, #tpu.memory_space<vmem>> -> memref<1x40x128xf32, #tpu.memory_space<vmem>>
      %dma_start3A_77 = tpu.memref_squeeze %dma_start3A_76 : memref<1x40x128xf32, #tpu.memory_space<vmem>> -> memref<40x128xf32, #tpu.memory_space<vmem>>
      %dma_start3A_78 = arith.constant 0 : i32
      %dma_start3A_79 = tpu.memref_slice %arg4[%add3A_64, %dma_start3A_78] : memref<320000x128xf32, #tpu.memory_space<hbm>> -> memref<40x128xf32, #tpu.memory_space<hbm>>
      tpu.enqueue_dma source(%dma_start3A_79 : memref<40x128xf32, #tpu.memory_space<hbm>>) target(%dma_start3A_77 : memref<40x128xf32, #tpu.memory_space<vmem>>) target_semaphore(%dma_start3A_73 : memref<!tpu.dma_semaphore, #tpu.memory_space<semaphore_mem>>)
      %mul3A_80 = arith.constant 2 : i32
      %mul3A_81 = arith.muli %scan3A_53, %mul3A_80 : i32
      %add3A_82 = arith.constant 1 : i32
      %add3A_83 = arith.addi %mul3A_81, %add3A_82 : i32
      %gt3A_84 = arith.constant 0 : i32
      %gt3A_85 = arith.cmpi sgt, %scan3A_53, %gt3A_84 : i32
      %convert_element_type3A_86 = arith.extui %gt3A_85 : i1 to i32
      %cond3A_87 = arith.constant 0 : i32
      %cond3A_88 = arith.cmpi ne, %convert_element_type3A_86, %cond3A_87 : i32
      scf.if %cond3A_88 {
        %dma_wait3A_176 = arith.constant 1 : i32
        %dma_wait3A_177 = arith.constant 1 : i32
        %dma_wait3A_178 = arith.constant 0 : i32
        %dma_wait3A_179 = arith.constant 0 : i32
        %dma_wait3A_180 = tpu.memref_slice %arg7[%dma_wait3A_176, %dma_wait3A_178, %dma_wait3A_179] : memref<2x40x128xf32, #tpu.memory_space<vmem>> -> memref<1x40x128xf32, #tpu.memory_space<vmem>>
        %dma_wait3A_181 = tpu.memref_squeeze %dma_wait3A_180 : memref<1x40x128xf32, #tpu.memory_space<vmem>> -> memref<40x128xf32, #tpu.memory_space<vmem>>
        %dma_wait3A_182 = arith.constant 0 : i32
        %dma_wait3A_183 = arith.constant 0 : i32
        %dma_wait3A_184 = tpu.memref_slice %arg4[%dma_wait3A_182, %dma_wait3A_183] : memref<320000x128xf32, #tpu.memory_space<hbm>> -> memref<40x128xf32, #tpu.memory_space<hbm>>
        %dma_wait3A_185 = tpu.memref_slice %arg9[%dma_wait3A_177] : memref<2x!tpu.dma_semaphore, #tpu.memory_space<semaphore_mem>> -> memref<1x!tpu.dma_semaphore, #tpu.memory_space<semaphore_mem>>
        %dma_wait3A_186 = tpu.memref_squeeze %dma_wait3A_185 : memref<1x!tpu.dma_semaphore, #tpu.memory_space<semaphore_mem>> -> memref<!tpu.dma_semaphore, #tpu.memory_space<semaphore_mem>>
        %dma_wait3A_187 = arith.constant 0 : i32
        %dma_wait3A_188 = arith.constant 0 : i32
        %dma_wait3A_189 = tpu.memref_slice %arg7[%dma_wait3A_176, %dma_wait3A_187, %dma_wait3A_188] : memref<2x40x128xf32, #tpu.memory_space<vmem>> -> memref<1x40x128xf32, #tpu.memory_space<vmem>>
        %dma_wait3A_190 = tpu.memref_squeeze %dma_wait3A_189 : memref<1x40x128xf32, #tpu.memory_space<vmem>> -> memref<40x128xf32, #tpu.memory_space<vmem>>
        %dma_wait3A_191 = arith.constant 0 : i32
        %dma_wait3A_192 = arith.constant 0 : i32
        %dma_wait3A_193 = tpu.memref_slice %arg4[%dma_wait3A_191, %dma_wait3A_192] : memref<320000x128xf32, #tpu.memory_space<hbm>> -> memref<40x128xf32, #tpu.memory_space<hbm>>
        tpu.wait_dma2 semaphore(%dma_wait3A_186 : memref<!tpu.dma_semaphore, #tpu.memory_space<semaphore_mem>>) src(%dma_wait3A_193 : memref<40x128xf32, #tpu.memory_space<hbm>>) dst(%dma_wait3A_190 : memref<40x128xf32, #tpu.memory_space<vmem>>)
      } else {
      }
      %mul3A_89 = arith.constant 40 : i32
      %mul3A_90 = arith.muli %add3A_83, %mul3A_89 : i32
      %add3A_91 = arith.addi %mul3A_6, %mul3A_90 : i32
      %dma_start3A_92 = arith.constant 1 : i32
      %dma_start3A_93 = arith.constant 1 : i32
      %dma_start3A_94 = arith.constant 0 : i32
      %dma_start3A_95 = arith.constant 0 : i32
      %dma_start3A_96 = tpu.memref_slice %arg7[%dma_start3A_92, %dma_start3A_94, %dma_start3A_95] : memref<2x40x128xf32, #tpu.memory_space<vmem>> -> memref<1x40x128xf32, #tpu.memory_space<vmem>>
      %dma_start3A_97 = tpu.memref_squeeze %dma_start3A_96 : memref<1x40x128xf32, #tpu.memory_space<vmem>> -> memref<40x128xf32, #tpu.memory_space<vmem>>
      %dma_start3A_98 = arith.constant 0 : i32
      %dma_start3A_99 = tpu.memref_slice %arg4[%add3A_91, %dma_start3A_98] : memref<320000x128xf32, #tpu.memory_space<hbm>> -> memref<40x128xf32, #tpu.memory_space<hbm>>
      %dma_start3A_100 = tpu.memref_slice %arg8[%dma_start3A_93] : memref<2x!tpu.dma_semaphore, #tpu.memory_space<semaphore_mem>> -> memref<1x!tpu.dma_semaphore, #tpu.memory_space<semaphore_mem>>
      %dma_start3A_101 = tpu.memref_squeeze %dma_start3A_100 : memref<1x!tpu.dma_semaphore, #tpu.memory_space<semaphore_mem>> -> memref<!tpu.dma_semaphore, #tpu.memory_space<semaphore_mem>>
      %dma_start3A_102 = arith.constant 0 : i32
      %dma_start3A_103 = arith.constant 0 : i32
      %dma_start3A_104 = tpu.memref_slice %arg7[%dma_start3A_92, %dma_start3A_102, %dma_start3A_103] : memref<2x40x128xf32, #tpu.memory_space<vmem>> -> memref<1x40x128xf32, #tpu.memory_space<vmem>>
      %dma_start3A_105 = tpu.memref_squeeze %dma_start3A_104 : memref<1x40x128xf32, #tpu.memory_space<vmem>> -> memref<40x128xf32, #tpu.memory_space<vmem>>
      %dma_start3A_106 = arith.constant 0 : i32
      %dma_start3A_107 = tpu.memref_slice %arg4[%add3A_91, %dma_start3A_106] : memref<320000x128xf32, #tpu.memory_space<hbm>> -> memref<40x128xf32, #tpu.memory_space<hbm>>
      tpu.enqueue_dma source(%dma_start3A_107 : memref<40x128xf32, #tpu.memory_space<hbm>>) target(%dma_start3A_105 : memref<40x128xf32, #tpu.memory_space<vmem>>) target_semaphore(%dma_start3A_101 : memref<!tpu.dma_semaphore, #tpu.memory_space<semaphore_mem>>)
      %mul3A_108 = arith.constant 2 : i32
      %mul3A_109 = arith.muli %scan3A_53, %mul3A_108 : i32
      %add3A_110 = arith.constant 0 : i32
      %add3A_111 = arith.addi %mul3A_109, %add3A_110 : i32
      %dma_wait3A_112 = arith.constant 0 : i32
      %dma_wait3A_113 = arith.constant 0 : i32
      %dma_wait3A_114 = arith.constant 0 : i32
      %dma_wait3A_115 = arith.constant 0 : i32
      %dma_wait3A_116 = tpu.memref_slice %arg7[%dma_wait3A_112, %dma_wait3A_114, %dma_wait3A_115] : memref<2x40x128xf32, #tpu.memory_space<vmem>> -> memref<1x40x128xf32, #tpu.memory_space<vmem>>
      %dma_wait3A_117 = tpu.memref_squeeze %dma_wait3A_116 : memref<1x40x128xf32, #tpu.memory_space<vmem>> -> memref<40x128xf32, #tpu.memory_space<vmem>>
      %dma_wait3A_118 = arith.constant 0 : i32
      %dma_wait3A_119 = tpu.memref_slice %arg4[%add3A_64, %dma_wait3A_118] : memref<320000x128xf32, #tpu.memory_space<hbm>> -> memref<40x128xf32, #tpu.memory_space<hbm>>
      %dma_wait3A_120 = tpu.memref_slice %arg8[%dma_wait3A_113] : memref<2x!tpu.dma_semaphore, #tpu.memory_space<semaphore_mem>> -> memref<1x!tpu.dma_semaphore, #tpu.memory_space<semaphore_mem>>
      %dma_wait3A_121 = tpu.memref_squeeze %dma_wait3A_120 : memref<1x!tpu.dma_semaphore, #tpu.memory_space<semaphore_mem>> -> memref<!tpu.dma_semaphore, #tpu.memory_space<semaphore_mem>>
      %dma_wait3A_122 = arith.constant 0 : i32
      %dma_wait3A_123 = arith.constant 0 : i32
      %dma_wait3A_124 = tpu.memref_slice %arg7[%dma_wait3A_112, %dma_wait3A_122, %dma_wait3A_123] : memref<2x40x128xf32, #tpu.memory_space<vmem>> -> memref<1x40x128xf32, #tpu.memory_space<vmem>>
      %dma_wait3A_125 = tpu.memref_squeeze %dma_wait3A_124 : memref<1x40x128xf32, #tpu.memory_space<vmem>> -> memref<40x128xf32, #tpu.memory_space<vmem>>
      %dma_wait3A_126 = arith.constant 0 : i32
      %dma_wait3A_127 = tpu.memref_slice %arg4[%add3A_64, %dma_wait3A_126] : memref<320000x128xf32, #tpu.memory_space<hbm>> -> memref<40x128xf32, #tpu.memory_space<hbm>>
      tpu.wait_dma2 semaphore(%dma_wait3A_121 : memref<!tpu.dma_semaphore, #tpu.memory_space<semaphore_mem>>) src(%dma_wait3A_127 : memref<40x128xf32, #tpu.memory_space<hbm>>) dst(%dma_wait3A_125 : memref<40x128xf32, #tpu.memory_space<vmem>>)
      %dma_start3A_128 = arith.constant 0 : i32
      %dma_start3A_129 = arith.constant 0 : i32
      %dma_start3A_130 = arith.constant 0 : i32
      %dma_start3A_131 = arith.constant 0 : i32
      %dma_start3A_132 = tpu.memref_slice %arg7[%dma_start3A_128, %dma_start3A_130, %dma_start3A_131] : memref<2x40x128xf32, #tpu.memory_space<vmem>> -> memref<1x40x128xf32, #tpu.memory_space<vmem>>
      %dma_start3A_133 = tpu.memref_squeeze %dma_start3A_132 : memref<1x40x128xf32, #tpu.memory_space<vmem>> -> memref<40x128xf32, #tpu.memory_space<vmem>>
      %dma_start3A_134 = arith.constant 0 : i32
      %dma_start3A_135 = tpu.memref_slice %arg6[%add3A_111, %dma_start3A_134] : memref<250x40xi32, #tpu.memory_space<vmem>> -> memref<1x40xi32, #tpu.memory_space<vmem>>
      %dma_start3A_136 = tpu.memref_squeeze %dma_start3A_135 : memref<1x40xi32, #tpu.memory_space<vmem>> -> memref<40xi32, #tpu.memory_space<vmem>>
      %dma_start3A_137 = arith.constant 0 : i32
      %dma_start3A_138 = arith.constant 0 : i32
      %dma_start3A_139 = tpu.memref_slice %arg10[%dma_start3A_137, %dma_start3A_138] : memref<10000x128xf32, #tpu.memory_space<vmem_shared>> -> memref<10000x128xf32, #tpu.memory_space<vmem_shared>>
      %dma_start3A_140 = tpu.memref_slice %arg9[%dma_start3A_129] : memref<2x!tpu.dma_semaphore, #tpu.memory_space<semaphore_mem>> -> memref<1x!tpu.dma_semaphore, #tpu.memory_space<semaphore_mem>>
      %dma_start3A_141 = tpu.memref_squeeze %dma_start3A_140 : memref<1x!tpu.dma_semaphore, #tpu.memory_space<semaphore_mem>> -> memref<!tpu.dma_semaphore, #tpu.memory_space<semaphore_mem>>
      tpu.enqueue_indirect_dma source(%dma_start3A_133 : memref<40x128xf32, #tpu.memory_space<vmem>>) target(%dma_start3A_139 : memref<10000x128xf32, #tpu.memory_space<vmem_shared>>) offsets(%dma_start3A_136 : memref<40xi32, #tpu.memory_space<vmem>>) semaphore(%dma_start3A_141 : memref<!tpu.dma_semaphore, #tpu.memory_space<semaphore_mem>>) {add = true}
      %mul3A_142 = arith.constant 2 : i32
      %mul3A_143 = arith.muli %scan3A_53, %mul3A_142 : i32
      %add3A_144 = arith.constant 1 : i32
      %add3A_145 = arith.addi %mul3A_143, %add3A_144 : i32
      %dma_wait3A_146 = arith.constant 1 : i32
      %dma_wait3A_147 = arith.constant 1 : i32
      %dma_wait3A_148 = arith.constant 0 : i32
      %dma_wait3A_149 = arith.constant 0 : i32
      %dma_wait3A_150 = tpu.memref_slice %arg7[%dma_wait3A_146, %dma_wait3A_148, %dma_wait3A_149] : memref<2x40x128xf32, #tpu.memory_space<vmem>> -> memref<1x40x128xf32, #tpu.memory_space<vmem>>
      %dma_wait3A_151 = tpu.memref_squeeze %dma_wait3A_150 : memref<1x40x128xf32, #tpu.memory_space<vmem>> -> memref<40x128xf32, #tpu.memory_space<vmem>>
      %dma_wait3A_152 = arith.constant 0 : i32
      %dma_wait3A_153 = tpu.memref_slice %arg4[%add3A_91, %dma_wait3A_152] : memref<320000x128xf32, #tpu.memory_space<hbm>> -> memref<40x128xf32, #tpu.memory_space<hbm>>
      %dma_wait3A_154 = tpu.memref_slice %arg8[%dma_wait3A_147] : memref<2x!tpu.dma_semaphore, #tpu.memory_space<semaphore_mem>> -> memref<1x!tpu.dma_semaphore, #tpu.memory_space<semaphore_mem>>
      %dma_wait3A_155 = tpu.memref_squeeze %dma_wait3A_154 : memref<1x!tpu.dma_semaphore, #tpu.memory_space<semaphore_mem>> -> memref<!tpu.dma_semaphore, #tpu.memory_space<semaphore_mem>>
      %dma_wait3A_156 = arith.constant 0 : i32
      %dma_wait3A_157 = arith.constant 0 : i32
      %dma_wait3A_158 = tpu.memref_slice %arg7[%dma_wait3A_146, %dma_wait3A_156, %dma_wait3A_157] : memref<2x40x128xf32, #tpu.memory_space<vmem>> -> memref<1x40x128xf32, #tpu.memory_space<vmem>>
      %dma_wait3A_159 = tpu.memref_squeeze %dma_wait3A_158 : memref<1x40x128xf32, #tpu.memory_space<vmem>> -> memref<40x128xf32, #tpu.memory_space<vmem>>
      %dma_wait3A_160 = arith.constant 0 : i32
      %dma_wait3A_161 = tpu.memref_slice %arg4[%add3A_91, %dma_wait3A_160] : memref<320000x128xf32, #tpu.memory_space<hbm>> -> memref<40x128xf32, #tpu.memory_space<hbm>>
      tpu.wait_dma2 semaphore(%dma_wait3A_155 : memref<!tpu.dma_semaphore, #tpu.memory_space<semaphore_mem>>) src(%dma_wait3A_161 : memref<40x128xf32, #tpu.memory_space<hbm>>) dst(%dma_wait3A_159 : memref<40x128xf32, #tpu.memory_space<vmem>>)
      %dma_start3A_162 = arith.constant 1 : i32
      %dma_start3A_163 = arith.constant 1 : i32
      %dma_start3A_164 = arith.constant 0 : i32
      %dma_start3A_165 = arith.constant 0 : i32
      %dma_start3A_166 = tpu.memref_slice %arg7[%dma_start3A_162, %dma_start3A_164, %dma_start3A_165] : memref<2x40x128xf32, #tpu.memory_space<vmem>> -> memref<1x40x128xf32, #tpu.memory_space<vmem>>
      %dma_start3A_167 = tpu.memref_squeeze %dma_start3A_166 : memref<1x40x128xf32, #tpu.memory_space<vmem>> -> memref<40x128xf32, #tpu.memory_space<vmem>>
      %dma_start3A_168 = arith.constant 0 : i32
      %dma_start3A_169 = tpu.memref_slice %arg6[%add3A_145, %dma_start3A_168] : memref<250x40xi32, #tpu.memory_space<vmem>> -> memref<1x40xi32, #tpu.memory_space<vmem>>
      %dma_start3A_170 = tpu.memref_squeeze %dma_start3A_169 : memref<1x40xi32, #tpu.memory_space<vmem>> -> memref<40xi32, #tpu.memory_space<vmem>>
      %dma_start3A_171 = arith.constant 0 : i32
      %dma_start3A_172 = arith.constant 0 : i32
      %dma_start3A_173 = tpu.memref_slice %arg10[%dma_start3A_171, %dma_start3A_172] : memref<10000x128xf32, #tpu.memory_space<vmem_shared>> -> memref<10000x128xf32, #tpu.memory_space<vmem_shared>>
      %dma_start3A_174 = tpu.memref_slice %arg9[%dma_start3A_163] : memref<2x!tpu.dma_semaphore, #tpu.memory_space<semaphore_mem>> -> memref<1x!tpu.dma_semaphore, #tpu.memory_space<semaphore_mem>>
      %dma_start3A_175 = tpu.memref_squeeze %dma_start3A_174 : memref<1x!tpu.dma_semaphore, #tpu.memory_space<semaphore_mem>> -> memref<!tpu.dma_semaphore, #tpu.memory_space<semaphore_mem>>
      tpu.enqueue_indirect_dma source(%dma_start3A_167 : memref<40x128xf32, #tpu.memory_space<vmem>>) target(%dma_start3A_173 : memref<10000x128xf32, #tpu.memory_space<vmem_shared>>) offsets(%dma_start3A_170 : memref<40xi32, #tpu.memory_space<vmem>>) semaphore(%dma_start3A_175 : memref<!tpu.dma_semaphore, #tpu.memory_space<semaphore_mem>>) {add = true}
    }
    %scan3A_11 = arith.constant 125 : i32
    %dma_wait3A = arith.constant 0 : i32
    %dma_wait3A_12 = arith.constant 0 : i32
    %dma_wait3A_13 = arith.constant 0 : i32
    %dma_wait3A_14 = arith.constant 0 : i32
    %dma_wait3A_15 = tpu.memref_slice %arg7[%dma_wait3A, %dma_wait3A_13, %dma_wait3A_14] : memref<2x40x128xf32, #tpu.memory_space<vmem>> -> memref<1x40x128xf32, #tpu.memory_space<vmem>>
    %dma_wait3A_16 = tpu.memref_squeeze %dma_wait3A_15 : memref<1x40x128xf32, #tpu.memory_space<vmem>> -> memref<40x128xf32, #tpu.memory_space<vmem>>
    %dma_wait3A_17 = arith.constant 0 : i32
    %dma_wait3A_18 = arith.constant 0 : i32
    %dma_wait3A_19 = tpu.memref_slice %arg4[%dma_wait3A_17, %dma_wait3A_18] : memref<320000x128xf32, #tpu.memory_space<hbm>> -> memref<40x128xf32, #tpu.memory_space<hbm>>
    %dma_wait3A_20 = tpu.memref_slice %arg9[%dma_wait3A_12] : memref<2x!tpu.dma_semaphore, #tpu.memory_space<semaphore_mem>> -> memref<1x!tpu.dma_semaphore, #tpu.memory_space<semaphore_mem>>
    %dma_wait3A_21 = tpu.memref_squeeze %dma_wait3A_20 : memref<1x!tpu.dma_semaphore, #tpu.memory_space<semaphore_mem>> -> memref<!tpu.dma_semaphore, #tpu.memory_space<semaphore_mem>>
    %dma_wait3A_22 = arith.constant 0 : i32
    %dma_wait3A_23 = arith.constant 0 : i32
    %dma_wait3A_24 = tpu.memref_slice %arg7[%dma_wait3A, %dma_wait3A_22, %dma_wait3A_23] : memref<2x40x128xf32, #tpu.memory_space<vmem>> -> memref<1x40x128xf32, #tpu.memory_space<vmem>>
    %dma_wait3A_25 = tpu.memref_squeeze %dma_wait3A_24 : memref<1x40x128xf32, #tpu.memory_space<vmem>> -> memref<40x128xf32, #tpu.memory_space<vmem>>
    %dma_wait3A_26 = arith.constant 0 : i32
    %dma_wait3A_27 = arith.constant 0 : i32
    %dma_wait3A_28 = tpu.memref_slice %arg4[%dma_wait3A_26, %dma_wait3A_27] : memref<320000x128xf32, #tpu.memory_space<hbm>> -> memref<40x128xf32, #tpu.memory_space<hbm>>
    tpu.wait_dma2 semaphore(%dma_wait3A_21 : memref<!tpu.dma_semaphore, #tpu.memory_space<semaphore_mem>>) src(%dma_wait3A_28 : memref<40x128xf32, #tpu.memory_space<hbm>>) dst(%dma_wait3A_25 : memref<40x128xf32, #tpu.memory_space<vmem>>)
    %dma_wait3A_29 = arith.constant 1 : i32
    %dma_wait3A_30 = arith.constant 1 : i32
    %dma_wait3A_31 = arith.constant 0 : i32
    %dma_wait3A_32 = arith.constant 0 : i32
    %dma_wait3A_33 = tpu.memref_slice %arg7[%dma_wait3A_29, %dma_wait3A_31, %dma_wait3A_32] : memref<2x40x128xf32, #tpu.memory_space<vmem>> -> memref<1x40x128xf32, #tpu.memory_space<vmem>>
    %dma_wait3A_34 = tpu.memref_squeeze %dma_wait3A_33 : memref<1x40x128xf32, #tpu.memory_space<vmem>> -> memref<40x128xf32, #tpu.memory_space<vmem>>
    %dma_wait3A_35 = arith.constant 0 : i32
    %dma_wait3A_36 = arith.constant 0 : i32
    %dma_wait3A_37 = tpu.memref_slice %arg4[%dma_wait3A_35, %dma_wait3A_36] : memref<320000x128xf32, #tpu.memory_space<hbm>> -> memref<40x128xf32, #tpu.memory_space<hbm>>
    %dma_wait3A_38 = tpu.memref_slice %arg9[%dma_wait3A_30] : memref<2x!tpu.dma_semaphore, #tpu.memory_space<semaphore_mem>> -> memref<1x!tpu.dma_semaphore, #tpu.memory_space<semaphore_mem>>
    %dma_wait3A_39 = tpu.memref_squeeze %dma_wait3A_38 : memref<1x!tpu.dma_semaphore, #tpu.memory_space<semaphore_mem>> -> memref<!tpu.dma_semaphore, #tpu.memory_space<semaphore_mem>>
    %dma_wait3A_40 = arith.constant 0 : i32
    %dma_wait3A_41 = arith.constant 0 : i32
    %dma_wait3A_42 = tpu.memref_slice %arg7[%dma_wait3A_29, %dma_wait3A_40, %dma_wait3A_41] : memref<2x40x128xf32, #tpu.memory_space<vmem>> -> memref<1x40x128xf32, #tpu.memory_space<vmem>>
    %dma_wait3A_43 = tpu.memref_squeeze %dma_wait3A_42 : memref<1x40x128xf32, #tpu.memory_space<vmem>> -> memref<40x128xf32, #tpu.memory_space<vmem>>
    %dma_wait3A_44 = arith.constant 0 : i32
    %dma_wait3A_45 = arith.constant 0 : i32
    %dma_wait3A_46 = tpu.memref_slice %arg4[%dma_wait3A_44, %dma_wait3A_45] : memref<320000x128xf32, #tpu.memory_space<hbm>> -> memref<40x128xf32, #tpu.memory_space<hbm>>
    tpu.wait_dma2 semaphore(%dma_wait3A_39 : memref<!tpu.dma_semaphore, #tpu.memory_space<semaphore_mem>>) src(%dma_wait3A_46 : memref<40x128xf32, #tpu.memory_space<hbm>>) dst(%dma_wait3A_43 : memref<40x128xf32, #tpu.memory_space<vmem>>)
    %barrier3A_47 = arith.constant 0 : index
    tpu.barrier barrier_id(%barrier3A_47)
    "tpu.region"() ({
      %run_scoped3A = tpu.sem_alloc : memref<!tpu.dma_semaphore, #tpu.memory_space<semaphore_mem>>
      %dma_start3A = arith.constant 0 : i32
      %dma_start3A_53 = tpu.memref_slice %arg5[%arg0, %mul3A_2, %dma_start3A] : memref<2x10000x128xf32, #tpu.memory_space<hbm>> -> memref<1x624x128xf32, #tpu.memory_space<hbm>>
      %dma_start3A_54 = tpu.memref_squeeze %dma_start3A_53 : memref<1x624x128xf32, #tpu.memory_space<hbm>> -> memref<624x128xf32, #tpu.memory_space<hbm>>
      %dma_start3A_55 = arith.constant 0 : i32
      %dma_start3A_56 = tpu.memref_slice %arg10[%mul3A_2, %dma_start3A_55] : memref<10000x128xf32, #tpu.memory_space<vmem_shared>> -> memref<624x128xf32, #tpu.memory_space<vmem_shared>>
      tpu.enqueue_dma source(%dma_start3A_56 : memref<624x128xf32, #tpu.memory_space<vmem_shared>>) target(%dma_start3A_54 : memref<624x128xf32, #tpu.memory_space<hbm>>) target_semaphore(%run_scoped3A : memref<!tpu.dma_semaphore, #tpu.memory_space<semaphore_mem>>)
      %dma_wait3A_57 = arith.constant 0 : i32
      %dma_wait3A_58 = tpu.memref_slice %arg5[%arg0, %mul3A_2, %dma_wait3A_57] : memref<2x10000x128xf32, #tpu.memory_space<hbm>> -> memref<1x624x128xf32, #tpu.memory_space<hbm>>
      %dma_wait3A_59 = tpu.memref_squeeze %dma_wait3A_58 : memref<1x624x128xf32, #tpu.memory_space<hbm>> -> memref<624x128xf32, #tpu.memory_space<hbm>>
      %dma_wait3A_60 = arith.constant 0 : i32
      %dma_wait3A_61 = tpu.memref_slice %arg10[%mul3A_2, %dma_wait3A_60] : memref<10000x128xf32, #tpu.memory_space<vmem_shared>> -> memref<624x128xf32, #tpu.memory_space<vmem_shared>>
      tpu.wait_dma2 semaphore(%run_scoped3A : memref<!tpu.dma_semaphore, #tpu.memory_space<semaphore_mem>>) src(%dma_wait3A_61 : memref<624x128xf32, #tpu.memory_space<vmem_shared>>) dst(%dma_wait3A_59 : memref<624x128xf32, #tpu.memory_space<hbm>>)
      tpu.yield
    }) : () -> ()
    %eq3A_48 = arith.constant 0 : i32
    %eq3A_49 = arith.cmpi eq, %arg1, %eq3A_48 : i32
    %convert_element_type3A_50 = arith.extui %eq3A_49 : i1 to i32
    %cond3A_51 = arith.constant 0 : i32
    %cond3A_52 = arith.cmpi ne, %convert_element_type3A_50, %cond3A_51 : i32
    scf.if %cond3A_52 {
      "tpu.region"() ({
        %run_scoped3A = tpu.sem_alloc : memref<!tpu.dma_semaphore, #tpu.memory_space<semaphore_mem>>
        %dma_start3A = arith.constant 9984 : i32
        %dma_start3A_53 = arith.constant 0 : i32
        %dma_start3A_54 = tpu.memref_slice %arg5[%arg0, %dma_start3A, %dma_start3A_53] : memref<2x10000x128xf32, #tpu.memory_space<hbm>> -> memref<1x16x128xf32, #tpu.memory_space<hbm>>
        %dma_start3A_55 = tpu.memref_squeeze %dma_start3A_54 : memref<1x16x128xf32, #tpu.memory_space<hbm>> -> memref<16x128xf32, #tpu.memory_space<hbm>>
        %dma_start3A_56 = arith.constant 9984 : i32
        %dma_start3A_57 = arith.constant 0 : i32
        %dma_start3A_58 = tpu.memref_slice %arg10[%dma_start3A_56, %dma_start3A_57] : memref<10000x128xf32, #tpu.memory_space<vmem_shared>> -> memref<16x128xf32, #tpu.memory_space<vmem_shared>>
        tpu.enqueue_dma source(%dma_start3A_58 : memref<16x128xf32, #tpu.memory_space<vmem_shared>>) target(%dma_start3A_55 : memref<16x128xf32, #tpu.memory_space<hbm>>) target_semaphore(%run_scoped3A : memref<!tpu.dma_semaphore, #tpu.memory_space<semaphore_mem>>)
        %dma_wait3A_59 = arith.constant 9984 : i32
        %dma_wait3A_60 = arith.constant 0 : i32
        %dma_wait3A_61 = tpu.memref_slice %arg5[%arg0, %dma_wait3A_59, %dma_wait3A_60] : memref<2x10000x128xf32, #tpu.memory_space<hbm>> -> memref<1x16x128xf32, #tpu.memory_space<hbm>>
        %dma_wait3A_62 = tpu.memref_squeeze %dma_wait3A_61 : memref<1x16x128xf32, #tpu.memory_space<hbm>> -> memref<16x128xf32, #tpu.memory_space<hbm>>
        %dma_wait3A_63 = arith.constant 9984 : i32
        %dma_wait3A_64 = arith.constant 0 : i32
        %dma_wait3A_65 = tpu.memref_slice %arg10[%dma_wait3A_63, %dma_wait3A_64] : memref<10000x128xf32, #tpu.memory_space<vmem_shared>> -> memref<16x128xf32, #tpu.memory_space<vmem_shared>>
        tpu.wait_dma2 semaphore(%run_scoped3A : memref<!tpu.dma_semaphore, #tpu.memory_space<semaphore_mem>>) src(%dma_wait3A_65 : memref<16x128xf32, #tpu.memory_space<vmem_shared>>) dst(%dma_wait3A_62 : memref<16x128xf32, #tpu.memory_space<hbm>>)
        tpu.yield
      }) : () -> ()
    } else {
    }
    return
  }
}

#map = affine_map<(d0, d1) -> (0, 0)>
#map1 = affine_map<(d0, d1) -> (0)>
module attributes {stable_mosaic.version = 14 : i64} {
  func.func @_sc_gather(%arg0: i32, %arg1: i32, %arg2: memref<10000x128xf32, #tpu.memory_space<hbm>>, %arg3: memref<10000x128xf32, #tpu.memory_space<hbm>>, %arg4: memref<320000xi32, #tpu.memory_space<hbm>>, %arg5: memref<320000xi32, #tpu.memory_space<hbm>>, %arg6: memref<320000x128xf32, #tpu.memory_space<hbm>>, %arg7: memref<320000x128xf32, #tpu.memory_space<hbm>>, %arg8: memref<10000xi32, #tpu.memory_space<vmem>>, %arg9: memref<10000xi32, #tpu.memory_space<vmem>>, %arg10: memref<2x40x128xf32, #tpu.memory_space<vmem>>, %arg11: memref<2x40x128xf32, #tpu.memory_space<vmem>>, %arg12: memref<2x!tpu.dma_semaphore, #tpu.memory_space<semaphore_mem>>, %arg13: memref<2x!tpu.dma_semaphore, #tpu.memory_space<semaphore_mem>>) attributes {dimension_semantics = [#tpu.dimension_semantics<core_parallel>, #tpu.dimension_semantics<subcore_parallel>], iteration_bounds = array<i64: 2, 16>, scalar_prefetch = 0 : i64, scratch_operands = 6 : i64, tpu.core_type = #tpu.core_type<sc_vector_subcore>, window_params = [{transform_indices = #map}, {transform_indices = #map}, {transform_indices = #map1}, {transform_indices = #map1}, {transform_indices = #map}, {transform_indices = #map}]} {
    %mul3A = arith.constant 2 : i32
    %mul3A_0 = arith.muli %arg1, %mul3A : i32
    %add3A = arith.addi %mul3A_0, %arg0 : i32
    %mul3A_1 = arith.constant 10000 : i32
    %mul3A_2 = arith.muli %add3A, %mul3A_1 : i32
    "tpu.region"() ({
      %run_scoped3A = tpu.sem_alloc : memref<!tpu.dma_semaphore, #tpu.memory_space<semaphore_mem>>
      %dma_start3A = tpu.memref_slice %arg4[%mul3A_2] : memref<320000xi32, #tpu.memory_space<hbm>> -> memref<10000xi32, #tpu.memory_space<hbm>>
      %dma_start3A_79 = tpu.memref_slice %arg4[%mul3A_2] : memref<320000xi32, #tpu.memory_space<hbm>> -> memref<10000xi32, #tpu.memory_space<hbm>>
      tpu.enqueue_dma source(%dma_start3A_79 : memref<10000xi32, #tpu.memory_space<hbm>>) target(%arg8 : memref<10000xi32, #tpu.memory_space<vmem>>) target_semaphore(%run_scoped3A : memref<!tpu.dma_semaphore, #tpu.memory_space<semaphore_mem>>)
      %dma_wait3A_80 = tpu.memref_slice %arg4[%mul3A_2] : memref<320000xi32, #tpu.memory_space<hbm>> -> memref<10000xi32, #tpu.memory_space<hbm>>
      %dma_wait3A_81 = tpu.memref_slice %arg4[%mul3A_2] : memref<320000xi32, #tpu.memory_space<hbm>> -> memref<10000xi32, #tpu.memory_space<hbm>>
      tpu.wait_dma2 semaphore(%run_scoped3A : memref<!tpu.dma_semaphore, #tpu.memory_space<semaphore_mem>>) src(%dma_wait3A_81 : memref<10000xi32, #tpu.memory_space<hbm>>) dst(%arg8 : memref<10000xi32, #tpu.memory_space<vmem>>)
      tpu.yield
    }) : () -> ()
    "tpu.region"() ({
      %run_scoped3A = tpu.sem_alloc : memref<!tpu.dma_semaphore, #tpu.memory_space<semaphore_mem>>
      %dma_start3A = tpu.memref_slice %arg5[%mul3A_2] : memref<320000xi32, #tpu.memory_space<hbm>> -> memref<10000xi32, #tpu.memory_space<hbm>>
      %dma_start3A_79 = tpu.memref_slice %arg5[%mul3A_2] : memref<320000xi32, #tpu.memory_space<hbm>> -> memref<10000xi32, #tpu.memory_space<hbm>>
      tpu.enqueue_dma source(%dma_start3A_79 : memref<10000xi32, #tpu.memory_space<hbm>>) target(%arg9 : memref<10000xi32, #tpu.memory_space<vmem>>) target_semaphore(%run_scoped3A : memref<!tpu.dma_semaphore, #tpu.memory_space<semaphore_mem>>)
      %dma_wait3A_80 = tpu.memref_slice %arg5[%mul3A_2] : memref<320000xi32, #tpu.memory_space<hbm>> -> memref<10000xi32, #tpu.memory_space<hbm>>
      %dma_wait3A_81 = tpu.memref_slice %arg5[%mul3A_2] : memref<320000xi32, #tpu.memory_space<hbm>> -> memref<10000xi32, #tpu.memory_space<hbm>>
      tpu.wait_dma2 semaphore(%run_scoped3A : memref<!tpu.dma_semaphore, #tpu.memory_space<semaphore_mem>>) src(%dma_wait3A_81 : memref<10000xi32, #tpu.memory_space<hbm>>) dst(%arg9 : memref<10000xi32, #tpu.memory_space<vmem>>)
      tpu.yield
    }) : () -> ()
    %scan3A = arith.constant 0 : i32
    %scan3A_3 = arith.constant 0 : i32
    %scan3A_4 = arith.constant 125 : i32
    %scan3A_5 = arith.addi %scan3A_3, %scan3A_4 : i32
    %scan3A_6 = arith.constant 1 : i32
    scf.for %scan3A_79 = %scan3A_3 to %scan3A_5 step %scan3A_6  : i32 {
      %mul3A_80 = arith.constant 2 : i32
      %mul3A_81 = arith.muli %scan3A_79, %mul3A_80 : i32
      %add3A_82 = arith.constant 0 : i32
      %add3A_83 = arith.addi %mul3A_81, %add3A_82 : i32
      %gt3A = arith.constant 0 : i32
      %gt3A_84 = arith.cmpi sgt, %scan3A_79, %gt3A : i32
      %convert_element_type3A = arith.extui %gt3A_84 : i1 to i32
      %cond3A = arith.constant 0 : i32
      %cond3A_85 = arith.cmpi ne, %convert_element_type3A, %cond3A : i32
      scf.if %cond3A_85 {
        %dma_wait3A_272 = arith.constant 0 : i32
        %dma_wait3A_273 = arith.constant 0 : i32
        %dma_wait3A_274 = arith.constant 0 : i32
        %dma_wait3A_275 = arith.constant 0 : i32
        %dma_wait3A_276 = tpu.memref_slice %arg10[%dma_wait3A_272, %dma_wait3A_274, %dma_wait3A_275] : memref<2x40x128xf32, #tpu.memory_space<vmem>> -> memref<1x40x128xf32, #tpu.memory_space<vmem>>
        %dma_wait3A_277 = tpu.memref_squeeze %dma_wait3A_276 : memref<1x40x128xf32, #tpu.memory_space<vmem>> -> memref<40x128xf32, #tpu.memory_space<vmem>>
        %dma_wait3A_278 = arith.constant 0 : i32
        %dma_wait3A_279 = arith.constant 0 : i32
        %dma_wait3A_280 = tpu.memref_slice %arg2[%dma_wait3A_278, %dma_wait3A_279] : memref<10000x128xf32, #tpu.memory_space<hbm>> -> memref<40x128xf32, #tpu.memory_space<hbm>>
        %dma_wait3A_281 = tpu.memref_slice %arg13[%dma_wait3A_273] : memref<2x!tpu.dma_semaphore, #tpu.memory_space<semaphore_mem>> -> memref<1x!tpu.dma_semaphore, #tpu.memory_space<semaphore_mem>>
        %dma_wait3A_282 = tpu.memref_squeeze %dma_wait3A_281 : memref<1x!tpu.dma_semaphore, #tpu.memory_space<semaphore_mem>> -> memref<!tpu.dma_semaphore, #tpu.memory_space<semaphore_mem>>
        %dma_wait3A_283 = arith.constant 0 : i32
        %dma_wait3A_284 = arith.constant 0 : i32
        %dma_wait3A_285 = tpu.memref_slice %arg10[%dma_wait3A_272, %dma_wait3A_283, %dma_wait3A_284] : memref<2x40x128xf32, #tpu.memory_space<vmem>> -> memref<1x40x128xf32, #tpu.memory_space<vmem>>
        %dma_wait3A_286 = tpu.memref_squeeze %dma_wait3A_285 : memref<1x40x128xf32, #tpu.memory_space<vmem>> -> memref<40x128xf32, #tpu.memory_space<vmem>>
        %dma_wait3A_287 = arith.constant 0 : i32
        %dma_wait3A_288 = arith.constant 0 : i32
        %dma_wait3A_289 = tpu.memref_slice %arg2[%dma_wait3A_287, %dma_wait3A_288] : memref<10000x128xf32, #tpu.memory_space<hbm>> -> memref<40x128xf32, #tpu.memory_space<hbm>>
        tpu.wait_dma2 semaphore(%dma_wait3A_282 : memref<!tpu.dma_semaphore, #tpu.memory_space<semaphore_mem>>) src(%dma_wait3A_289 : memref<40x128xf32, #tpu.memory_space<hbm>>) dst(%dma_wait3A_286 : memref<40x128xf32, #tpu.memory_space<vmem>>)
        %dma_wait3A_290 = arith.constant 0 : i32
        %dma_wait3A_291 = arith.constant 0 : i32
        %dma_wait3A_292 = arith.constant 0 : i32
        %dma_wait3A_293 = arith.constant 0 : i32
        %dma_wait3A_294 = tpu.memref_slice %arg11[%dma_wait3A_290, %dma_wait3A_292, %dma_wait3A_293] : memref<2x40x128xf32, #tpu.memory_space<vmem>> -> memref<1x40x128xf32, #tpu.memory_space<vmem>>
        %dma_wait3A_295 = tpu.memref_squeeze %dma_wait3A_294 : memref<1x40x128xf32, #tpu.memory_space<vmem>> -> memref<40x128xf32, #tpu.memory_space<vmem>>
        %dma_wait3A_296 = arith.constant 0 : i32
        %dma_wait3A_297 = arith.constant 0 : i32
        %dma_wait3A_298 = tpu.memref_slice %arg2[%dma_wait3A_296, %dma_wait3A_297] : memref<10000x128xf32, #tpu.memory_space<hbm>> -> memref<40x128xf32, #tpu.memory_space<hbm>>
        %dma_wait3A_299 = tpu.memref_slice %arg13[%dma_wait3A_291] : memref<2x!tpu.dma_semaphore, #tpu.memory_space<semaphore_mem>> -> memref<1x!tpu.dma_semaphore, #tpu.memory_space<semaphore_mem>>
        %dma_wait3A_300 = tpu.memref_squeeze %dma_wait3A_299 : memref<1x!tpu.dma_semaphore, #tpu.memory_space<semaphore_mem>> -> memref<!tpu.dma_semaphore, #tpu.memory_space<semaphore_mem>>
        %dma_wait3A_301 = arith.constant 0 : i32
        %dma_wait3A_302 = arith.constant 0 : i32
        %dma_wait3A_303 = tpu.memref_slice %arg11[%dma_wait3A_290, %dma_wait3A_301, %dma_wait3A_302] : memref<2x40x128xf32, #tpu.memory_space<vmem>> -> memref<1x40x128xf32, #tpu.memory_space<vmem>>
        %dma_wait3A_304 = tpu.memref_squeeze %dma_wait3A_303 : memref<1x40x128xf32, #tpu.memory_space<vmem>> -> memref<40x128xf32, #tpu.memory_space<vmem>>
        %dma_wait3A_305 = arith.constant 0 : i32
        %dma_wait3A_306 = arith.constant 0 : i32
        %dma_wait3A_307 = tpu.memref_slice %arg2[%dma_wait3A_305, %dma_wait3A_306] : memref<10000x128xf32, #tpu.memory_space<hbm>> -> memref<40x128xf32, #tpu.memory_space<hbm>>
        tpu.wait_dma2 semaphore(%dma_wait3A_300 : memref<!tpu.dma_semaphore, #tpu.memory_space<semaphore_mem>>) src(%dma_wait3A_307 : memref<40x128xf32, #tpu.memory_space<hbm>>) dst(%dma_wait3A_304 : memref<40x128xf32, #tpu.memory_space<vmem>>)
      } else {
      }
      %mul3A_86 = arith.constant 40 : i32
      %mul3A_87 = arith.muli %add3A_83, %mul3A_86 : i32
      %dma_start3A = arith.constant 0 : i32
      %dma_start3A_88 = arith.constant 0 : i32
      %dma_start3A_89 = arith.constant 0 : i32
      %dma_start3A_90 = arith.constant 0 : i32
      %dma_start3A_91 = tpu.memref_slice %arg10[%dma_start3A, %dma_start3A_89, %dma_start3A_90] : memref<2x40x128xf32, #tpu.memory_space<vmem>> -> memref<1x40x128xf32, #tpu.memory_space<vmem>>
      %dma_start3A_92 = tpu.memref_squeeze %dma_start3A_91 : memref<1x40x128xf32, #tpu.memory_space<vmem>> -> memref<40x128xf32, #tpu.memory_space<vmem>>
      %dma_start3A_93 = tpu.memref_slice %arg8[%mul3A_87] : memref<10000xi32, #tpu.memory_space<vmem>> -> memref<40xi32, #tpu.memory_space<vmem>>
      %dma_start3A_94 = arith.constant 0 : i32
      %dma_start3A_95 = arith.constant 0 : i32
      %dma_start3A_96 = tpu.memref_slice %arg2[%dma_start3A_94, %dma_start3A_95] : memref<10000x128xf32, #tpu.memory_space<hbm>> -> memref<10000x128xf32, #tpu.memory_space<hbm>>
      %dma_start3A_97 = tpu.memref_slice %arg12[%dma_start3A_88] : memref<2x!tpu.dma_semaphore, #tpu.memory_space<semaphore_mem>> -> memref<1x!tpu.dma_semaphore, #tpu.memory_space<semaphore_mem>>
      %dma_start3A_98 = tpu.memref_squeeze %dma_start3A_97 : memref<1x!tpu.dma_semaphore, #tpu.memory_space<semaphore_mem>> -> memref<!tpu.dma_semaphore, #tpu.memory_space<semaphore_mem>>
      tpu.enqueue_indirect_dma source(%dma_start3A_96 : memref<10000x128xf32, #tpu.memory_space<hbm>>) target(%dma_start3A_92 : memref<40x128xf32, #tpu.memory_space<vmem>>) offsets(%dma_start3A_93 : memref<40xi32, #tpu.memory_space<vmem>>) semaphore(%dma_start3A_98 : memref<!tpu.dma_semaphore, #tpu.memory_space<semaphore_mem>>)
      %dma_start3A_99 = arith.constant 0 : i32
      %dma_start3A_100 = arith.constant 0 : i32
      %dma_start3A_101 = arith.constant 0 : i32
      %dma_start3A_102 = arith.constant 0 : i32
      %dma_start3A_103 = tpu.memref_slice %arg11[%dma_start3A_99, %dma_start3A_101, %dma_start3A_102] : memref<2x40x128xf32, #tpu.memory_space<vmem>> -> memref<1x40x128xf32, #tpu.memory_space<vmem>>
      %dma_start3A_104 = tpu.memref_squeeze %dma_start3A_103 : memref<1x40x128xf32, #tpu.memory_space<vmem>> -> memref<40x128xf32, #tpu.memory_space<vmem>>
      %dma_start3A_105 = tpu.memref_slice %arg9[%mul3A_87] : memref<10000xi32, #tpu.memory_space<vmem>> -> memref<40xi32, #tpu.memory_space<vmem>>
      %dma_start3A_106 = arith.constant 0 : i32
      %dma_start3A_107 = arith.constant 0 : i32
      %dma_start3A_108 = tpu.memref_slice %arg3[%dma_start3A_106, %dma_start3A_107] : memref<10000x128xf32, #tpu.memory_space<hbm>> -> memref<10000x128xf32, #tpu.memory_space<hbm>>
      %dma_start3A_109 = tpu.memref_slice %arg12[%dma_start3A_100] : memref<2x!tpu.dma_semaphore, #tpu.memory_space<semaphore_mem>> -> memref<1x!tpu.dma_semaphore, #tpu.memory_space<semaphore_mem>>
      %dma_start3A_110 = tpu.memref_squeeze %dma_start3A_109 : memref<1x!tpu.dma_semaphore, #tpu.memory_space<semaphore_mem>> -> memref<!tpu.dma_semaphore, #tpu.memory_space<semaphore_mem>>
      tpu.enqueue_indirect_dma source(%dma_start3A_108 : memref<10000x128xf32, #tpu.memory_space<hbm>>) target(%dma_start3A_104 : memref<40x128xf32, #tpu.memory_space<vmem>>) offsets(%dma_start3A_105 : memref<40xi32, #tpu.memory_space<vmem>>) semaphore(%dma_start3A_110 : memref<!tpu.dma_semaphore, #tpu.memory_space<semaphore_mem>>)
      %mul3A_111 = arith.constant 2 : i32
      %mul3A_112 = arith.muli %scan3A_79, %mul3A_111 : i32
      %add3A_113 = arith.constant 1 : i32
      %add3A_114 = arith.addi %mul3A_112, %add3A_113 : i32
      %gt3A_115 = arith.constant 0 : i32
      %gt3A_116 = arith.cmpi sgt, %scan3A_79, %gt3A_115 : i32
      %convert_element_type3A_117 = arith.extui %gt3A_116 : i1 to i32
      %cond3A_118 = arith.constant 0 : i32
      %cond3A_119 = arith.cmpi ne, %convert_element_type3A_117, %cond3A_118 : i32
      scf.if %cond3A_119 {
        %dma_wait3A_272 = arith.constant 1 : i32
        %dma_wait3A_273 = arith.constant 1 : i32
        %dma_wait3A_274 = arith.constant 0 : i32
        %dma_wait3A_275 = arith.constant 0 : i32
        %dma_wait3A_276 = tpu.memref_slice %arg10[%dma_wait3A_272, %dma_wait3A_274, %dma_wait3A_275] : memref<2x40x128xf32, #tpu.memory_space<vmem>> -> memref<1x40x128xf32, #tpu.memory_space<vmem>>
        %dma_wait3A_277 = tpu.memref_squeeze %dma_wait3A_276 : memref<1x40x128xf32, #tpu.memory_space<vmem>> -> memref<40x128xf32, #tpu.memory_space<vmem>>
        %dma_wait3A_278 = arith.constant 0 : i32
        %dma_wait3A_279 = arith.constant 0 : i32
        %dma_wait3A_280 = tpu.memref_slice %arg2[%dma_wait3A_278, %dma_wait3A_279] : memref<10000x128xf32, #tpu.memory_space<hbm>> -> memref<40x128xf32, #tpu.memory_space<hbm>>
        %dma_wait3A_281 = tpu.memref_slice %arg13[%dma_wait3A_273] : memref<2x!tpu.dma_semaphore, #tpu.memory_space<semaphore_mem>> -> memref<1x!tpu.dma_semaphore, #tpu.memory_space<semaphore_mem>>
        %dma_wait3A_282 = tpu.memref_squeeze %dma_wait3A_281 : memref<1x!tpu.dma_semaphore, #tpu.memory_space<semaphore_mem>> -> memref<!tpu.dma_semaphore, #tpu.memory_space<semaphore_mem>>
        %dma_wait3A_283 = arith.constant 0 : i32
        %dma_wait3A_284 = arith.constant 0 : i32
        %dma_wait3A_285 = tpu.memref_slice %arg10[%dma_wait3A_272, %dma_wait3A_283, %dma_wait3A_284] : memref<2x40x128xf32, #tpu.memory_space<vmem>> -> memref<1x40x128xf32, #tpu.memory_space<vmem>>
        %dma_wait3A_286 = tpu.memref_squeeze %dma_wait3A_285 : memref<1x40x128xf32, #tpu.memory_space<vmem>> -> memref<40x128xf32, #tpu.memory_space<vmem>>
        %dma_wait3A_287 = arith.constant 0 : i32
        %dma_wait3A_288 = arith.constant 0 : i32
        %dma_wait3A_289 = tpu.memref_slice %arg2[%dma_wait3A_287, %dma_wait3A_288] : memref<10000x128xf32, #tpu.memory_space<hbm>> -> memref<40x128xf32, #tpu.memory_space<hbm>>
        tpu.wait_dma2 semaphore(%dma_wait3A_282 : memref<!tpu.dma_semaphore, #tpu.memory_space<semaphore_mem>>) src(%dma_wait3A_289 : memref<40x128xf32, #tpu.memory_space<hbm>>) dst(%dma_wait3A_286 : memref<40x128xf32, #tpu.memory_space<vmem>>)
        %dma_wait3A_290 = arith.constant 1 : i32
        %dma_wait3A_291 = arith.constant 1 : i32
        %dma_wait3A_292 = arith.constant 0 : i32
        %dma_wait3A_293 = arith.constant 0 : i32
        %dma_wait3A_294 = tpu.memref_slice %arg11[%dma_wait3A_290, %dma_wait3A_292, %dma_wait3A_293] : memref<2x40x128xf32, #tpu.memory_space<vmem>> -> memref<1x40x128xf32, #tpu.memory_space<vmem>>
        %dma_wait3A_295 = tpu.memref_squeeze %dma_wait3A_294 : memref<1x40x128xf32, #tpu.memory_space<vmem>> -> memref<40x128xf32, #tpu.memory_space<vmem>>
        %dma_wait3A_296 = arith.constant 0 : i32
        %dma_wait3A_297 = arith.constant 0 : i32
        %dma_wait3A_298 = tpu.memref_slice %arg2[%dma_wait3A_296, %dma_wait3A_297] : memref<10000x128xf32, #tpu.memory_space<hbm>> -> memref<40x128xf32, #tpu.memory_space<hbm>>
        %dma_wait3A_299 = tpu.memref_slice %arg13[%dma_wait3A_291] : memref<2x!tpu.dma_semaphore, #tpu.memory_space<semaphore_mem>> -> memref<1x!tpu.dma_semaphore, #tpu.memory_space<semaphore_mem>>
        %dma_wait3A_300 = tpu.memref_squeeze %dma_wait3A_299 : memref<1x!tpu.dma_semaphore, #tpu.memory_space<semaphore_mem>> -> memref<!tpu.dma_semaphore, #tpu.memory_space<semaphore_mem>>
        %dma_wait3A_301 = arith.constant 0 : i32
        %dma_wait3A_302 = arith.constant 0 : i32
        %dma_wait3A_303 = tpu.memref_slice %arg11[%dma_wait3A_290, %dma_wait3A_301, %dma_wait3A_302] : memref<2x40x128xf32, #tpu.memory_space<vmem>> -> memref<1x40x128xf32, #tpu.memory_space<vmem>>
        %dma_wait3A_304 = tpu.memref_squeeze %dma_wait3A_303 : memref<1x40x128xf32, #tpu.memory_space<vmem>> -> memref<40x128xf32, #tpu.memory_space<vmem>>
        %dma_wait3A_305 = arith.constant 0 : i32
        %dma_wait3A_306 = arith.constant 0 : i32
        %dma_wait3A_307 = tpu.memref_slice %arg2[%dma_wait3A_305, %dma_wait3A_306] : memref<10000x128xf32, #tpu.memory_space<hbm>> -> memref<40x128xf32, #tpu.memory_space<hbm>>
        tpu.wait_dma2 semaphore(%dma_wait3A_300 : memref<!tpu.dma_semaphore, #tpu.memory_space<semaphore_mem>>) src(%dma_wait3A_307 : memref<40x128xf32, #tpu.memory_space<hbm>>) dst(%dma_wait3A_304 : memref<40x128xf32, #tpu.memory_space<vmem>>)
      } else {
      }
      %mul3A_120 = arith.constant 40 : i32
      %mul3A_121 = arith.muli %add3A_114, %mul3A_120 : i32
      %dma_start3A_122 = arith.constant 1 : i32
      %dma_start3A_123 = arith.constant 1 : i32
      %dma_start3A_124 = arith.constant 0 : i32
      %dma_start3A_125 = arith.constant 0 : i32
      %dma_start3A_126 = tpu.memref_slice %arg10[%dma_start3A_122, %dma_start3A_124, %dma_start3A_125] : memref<2x40x128xf32, #tpu.memory_space<vmem>> -> memref<1x40x128xf32, #tpu.memory_space<vmem>>
      %dma_start3A_127 = tpu.memref_squeeze %dma_start3A_126 : memref<1x40x128xf32, #tpu.memory_space<vmem>> -> memref<40x128xf32, #tpu.memory_space<vmem>>
      %dma_start3A_128 = tpu.memref_slice %arg8[%mul3A_121] : memref<10000xi32, #tpu.memory_space<vmem>> -> memref<40xi32, #tpu.memory_space<vmem>>
      %dma_start3A_129 = arith.constant 0 : i32
      %dma_start3A_130 = arith.constant 0 : i32
      %dma_start3A_131 = tpu.memref_slice %arg2[%dma_start3A_129, %dma_start3A_130] : memref<10000x128xf32, #tpu.memory_space<hbm>> -> memref<10000x128xf32, #tpu.memory_space<hbm>>
      %dma_start3A_132 = tpu.memref_slice %arg12[%dma_start3A_123] : memref<2x!tpu.dma_semaphore, #tpu.memory_space<semaphore_mem>> -> memref<1x!tpu.dma_semaphore, #tpu.memory_space<semaphore_mem>>
      %dma_start3A_133 = tpu.memref_squeeze %dma_start3A_132 : memref<1x!tpu.dma_semaphore, #tpu.memory_space<semaphore_mem>> -> memref<!tpu.dma_semaphore, #tpu.memory_space<semaphore_mem>>
      tpu.enqueue_indirect_dma source(%dma_start3A_131 : memref<10000x128xf32, #tpu.memory_space<hbm>>) target(%dma_start3A_127 : memref<40x128xf32, #tpu.memory_space<vmem>>) offsets(%dma_start3A_128 : memref<40xi32, #tpu.memory_space<vmem>>) semaphore(%dma_start3A_133 : memref<!tpu.dma_semaphore, #tpu.memory_space<semaphore_mem>>)
      %dma_start3A_134 = arith.constant 1 : i32
      %dma_start3A_135 = arith.constant 1 : i32
      %dma_start3A_136 = arith.constant 0 : i32
      %dma_start3A_137 = arith.constant 0 : i32
      %dma_start3A_138 = tpu.memref_slice %arg11[%dma_start3A_134, %dma_start3A_136, %dma_start3A_137] : memref<2x40x128xf32, #tpu.memory_space<vmem>> -> memref<1x40x128xf32, #tpu.memory_space<vmem>>
      %dma_start3A_139 = tpu.memref_squeeze %dma_start3A_138 : memref<1x40x128xf32, #tpu.memory_space<vmem>> -> memref<40x128xf32, #tpu.memory_space<vmem>>
      %dma_start3A_140 = tpu.memref_slice %arg9[%mul3A_121] : memref<10000xi32, #tpu.memory_space<vmem>> -> memref<40xi32, #tpu.memory_space<vmem>>
      %dma_start3A_141 = arith.constant 0 : i32
      %dma_start3A_142 = arith.constant 0 : i32
      %dma_start3A_143 = tpu.memref_slice %arg3[%dma_start3A_141, %dma_start3A_142] : memref<10000x128xf32, #tpu.memory_space<hbm>> -> memref<10000x128xf32, #tpu.memory_space<hbm>>
      %dma_start3A_144 = tpu.memref_slice %arg12[%dma_start3A_135] : memref<2x!tpu.dma_semaphore, #tpu.memory_space<semaphore_mem>> -> memref<1x!tpu.dma_semaphore, #tpu.memory_space<semaphore_mem>>
      %dma_start3A_145 = tpu.memref_squeeze %dma_start3A_144 : memref<1x!tpu.dma_semaphore, #tpu.memory_space<semaphore_mem>> -> memref<!tpu.dma_semaphore, #tpu.memory_space<semaphore_mem>>
      tpu.enqueue_indirect_dma source(%dma_start3A_143 : memref<10000x128xf32, #tpu.memory_space<hbm>>) target(%dma_start3A_139 : memref<40x128xf32, #tpu.memory_space<vmem>>) offsets(%dma_start3A_140 : memref<40xi32, #tpu.memory_space<vmem>>) semaphore(%dma_start3A_145 : memref<!tpu.dma_semaphore, #tpu.memory_space<semaphore_mem>>)
      %mul3A_146 = arith.constant 2 : i32
      %mul3A_147 = arith.muli %scan3A_79, %mul3A_146 : i32
      %add3A_148 = arith.constant 0 : i32
      %add3A_149 = arith.addi %mul3A_147, %add3A_148 : i32
      %mul3A_150 = arith.constant 40 : i32
      %mul3A_151 = arith.muli %add3A_149, %mul3A_150 : i32
      %add3A_152 = arith.addi %mul3A_2, %mul3A_151 : i32
      %dma_wait3A_153 = arith.constant 0 : i32
      %dma_wait3A_154 = arith.constant 0 : i32
      %dma_wait3A_155 = arith.constant 0 : i32
      %dma_wait3A_156 = arith.constant 0 : i32
      %dma_wait3A_157 = tpu.memref_slice %arg10[%dma_wait3A_153, %dma_wait3A_155, %dma_wait3A_156] : memref<2x40x128xf32, #tpu.memory_space<vmem>> -> memref<1x40x128xf32, #tpu.memory_space<vmem>>
      %dma_wait3A_158 = tpu.memref_squeeze %dma_wait3A_157 : memref<1x40x128xf32, #tpu.memory_space<vmem>> -> memref<40x128xf32, #tpu.memory_space<vmem>>
      %dma_wait3A_159 = tpu.memref_slice %arg8[%mul3A_87] : memref<10000xi32, #tpu.memory_space<vmem>> -> memref<40xi32, #tpu.memory_space<vmem>>
      %dma_wait3A_160 = arith.constant 0 : i32
      %dma_wait3A_161 = arith.constant 0 : i32
      %dma_wait3A_162 = tpu.memref_slice %arg2[%dma_wait3A_160, %dma_wait3A_161] : memref<10000x128xf32, #tpu.memory_space<hbm>> -> memref<10000x128xf32, #tpu.memory_space<hbm>>
      %dma_wait3A_163 = tpu.memref_slice %arg12[%dma_wait3A_154] : memref<2x!tpu.dma_semaphore, #tpu.memory_space<semaphore_mem>> -> memref<1x!tpu.dma_semaphore, #tpu.memory_space<semaphore_mem>>
      %dma_wait3A_164 = tpu.memref_squeeze %dma_wait3A_163 : memref<1x!tpu.dma_semaphore, #tpu.memory_space<semaphore_mem>> -> memref<!tpu.dma_semaphore, #tpu.memory_space<semaphore_mem>>
      tpu.wait_indirect_dma semaphore(%dma_wait3A_164 : memref<!tpu.dma_semaphore, #tpu.memory_space<semaphore_mem>>) src(%dma_wait3A_162 : memref<10000x128xf32, #tpu.memory_space<hbm>>) dst(%dma_wait3A_158 : memref<40x128xf32, #tpu.memory_space<vmem>>)
      %dma_wait3A_165 = arith.constant 0 : i32
      %dma_wait3A_166 = arith.constant 0 : i32
      %dma_wait3A_167 = arith.constant 0 : i32
      %dma_wait3A_168 = arith.constant 0 : i32
      %dma_wait3A_169 = tpu.memref_slice %arg11[%dma_wait3A_165, %dma_wait3A_167, %dma_wait3A_168] : memref<2x40x128xf32, #tpu.memory_space<vmem>> -> memref<1x40x128xf32, #tpu.memory_space<vmem>>
      %dma_wait3A_170 = tpu.memref_squeeze %dma_wait3A_169 : memref<1x40x128xf32, #tpu.memory_space<vmem>> -> memref<40x128xf32, #tpu.memory_space<vmem>>
      %dma_wait3A_171 = tpu.memref_slice %arg9[%mul3A_87] : memref<10000xi32, #tpu.memory_space<vmem>> -> memref<40xi32, #tpu.memory_space<vmem>>
      %dma_wait3A_172 = arith.constant 0 : i32
      %dma_wait3A_173 = arith.constant 0 : i32
      %dma_wait3A_174 = tpu.memref_slice %arg3[%dma_wait3A_172, %dma_wait3A_173] : memref<10000x128xf32, #tpu.memory_space<hbm>> -> memref<10000x128xf32, #tpu.memory_space<hbm>>
      %dma_wait3A_175 = tpu.memref_slice %arg12[%dma_wait3A_166] : memref<2x!tpu.dma_semaphore, #tpu.memory_space<semaphore_mem>> -> memref<1x!tpu.dma_semaphore, #tpu.memory_space<semaphore_mem>>
      %dma_wait3A_176 = tpu.memref_squeeze %dma_wait3A_175 : memref<1x!tpu.dma_semaphore, #tpu.memory_space<semaphore_mem>> -> memref<!tpu.dma_semaphore, #tpu.memory_space<semaphore_mem>>
      tpu.wait_indirect_dma semaphore(%dma_wait3A_176 : memref<!tpu.dma_semaphore, #tpu.memory_space<semaphore_mem>>) src(%dma_wait3A_174 : memref<10000x128xf32, #tpu.memory_space<hbm>>) dst(%dma_wait3A_170 : memref<40x128xf32, #tpu.memory_space<vmem>>)
      %dma_start3A_177 = arith.constant 0 : i32
      %dma_start3A_178 = arith.constant 0 : i32
      %dma_start3A_179 = arith.constant 0 : i32
      %dma_start3A_180 = arith.constant 0 : i32
      %dma_start3A_181 = tpu.memref_slice %arg10[%dma_start3A_177, %dma_start3A_179, %dma_start3A_180] : memref<2x40x128xf32, #tpu.memory_space<vmem>> -> memref<1x40x128xf32, #tpu.memory_space<vmem>>
      %dma_start3A_182 = tpu.memref_squeeze %dma_start3A_181 : memref<1x40x128xf32, #tpu.memory_space<vmem>> -> memref<40x128xf32, #tpu.memory_space<vmem>>
      %dma_start3A_183 = arith.constant 0 : i32
      %dma_start3A_184 = tpu.memref_slice %arg6[%add3A_152, %dma_start3A_183] : memref<320000x128xf32, #tpu.memory_space<hbm>> -> memref<40x128xf32, #tpu.memory_space<hbm>>
      %dma_start3A_185 = tpu.memref_slice %arg13[%dma_start3A_178] : memref<2x!tpu.dma_semaphore, #tpu.memory_space<semaphore_mem>> -> memref<1x!tpu.dma_semaphore, #tpu.memory_space<semaphore_mem>>
      %dma_start3A_186 = tpu.memref_squeeze %dma_start3A_185 : memref<1x!tpu.dma_semaphore, #tpu.memory_space<semaphore_mem>> -> memref<!tpu.dma_semaphore, #tpu.memory_space<semaphore_mem>>
      %dma_start3A_187 = arith.constant 0 : i32
      %dma_start3A_188 = tpu.memref_slice %arg6[%add3A_152, %dma_start3A_187] : memref<320000x128xf32, #tpu.memory_space<hbm>> -> memref<40x128xf32, #tpu.memory_space<hbm>>
      %dma_start3A_189 = arith.constant 0 : i32
      %dma_start3A_190 = arith.constant 0 : i32
      %dma_start3A_191 = tpu.memref_slice %arg10[%dma_start3A_177, %dma_start3A_189, %dma_start3A_190] : memref<2x40x128xf32, #tpu.memory_space<vmem>> -> memref<1x40x128xf32, #tpu.memory_space<vmem>>
      %dma_start3A_192 = tpu.memref_squeeze %dma_start3A_191 : memref<1x40x128xf32, #tpu.memory_space<vmem>> -> memref<40x128xf32, #tpu.memory_space<vmem>>
      tpu.enqueue_dma source(%dma_start3A_192 : memref<40x128xf32, #tpu.memory_space<vmem>>) target(%dma_start3A_188 : memref<40x128xf32, #tpu.memory_space<hbm>>) target_semaphore(%dma_start3A_186 : memref<!tpu.dma_semaphore, #tpu.memory_space<semaphore_mem>>)
      %dma_start3A_193 = arith.constant 0 : i32
      %dma_start3A_194 = arith.constant 0 : i32
      %dma_start3A_195 = arith.constant 0 : i32
      %dma_start3A_196 = arith.constant 0 : i32
      %dma_start3A_197 = tpu.memref_slice %arg11[%dma_start3A_193, %dma_start3A_195, %dma_start3A_196] : memref<2x40x128xf32, #tpu.memory_space<vmem>> -> memref<1x40x128xf32, #tpu.memory_space<vmem>>
      %dma_start3A_198 = tpu.memref_squeeze %dma_start3A_197 : memref<1x40x128xf32, #tpu.memory_space<vmem>> -> memref<40x128xf32, #tpu.memory_space<vmem>>
      %dma_start3A_199 = arith.constant 0 : i32
      %dma_start3A_200 = tpu.memref_slice %arg7[%add3A_152, %dma_start3A_199] : memref<320000x128xf32, #tpu.memory_space<hbm>> -> memref<40x128xf32, #tpu.memory_space<hbm>>
      %dma_start3A_201 = tpu.memref_slice %arg13[%dma_start3A_194] : memref<2x!tpu.dma_semaphore, #tpu.memory_space<semaphore_mem>> -> memref<1x!tpu.dma_semaphore, #tpu.memory_space<semaphore_mem>>
      %dma_start3A_202 = tpu.memref_squeeze %dma_start3A_201 : memref<1x!tpu.dma_semaphore, #tpu.memory_space<semaphore_mem>> -> memref<!tpu.dma_semaphore, #tpu.memory_space<semaphore_mem>>
      %dma_start3A_203 = arith.constant 0 : i32
      %dma_start3A_204 = tpu.memref_slice %arg7[%add3A_152, %dma_start3A_203] : memref<320000x128xf32, #tpu.memory_space<hbm>> -> memref<40x128xf32, #tpu.memory_space<hbm>>
      %dma_start3A_205 = arith.constant 0 : i32
      %dma_start3A_206 = arith.constant 0 : i32
      %dma_start3A_207 = tpu.memref_slice %arg11[%dma_start3A_193, %dma_start3A_205, %dma_start3A_206] : memref<2x40x128xf32, #tpu.memory_space<vmem>> -> memref<1x40x128xf32, #tpu.memory_space<vmem>>
      %dma_start3A_208 = tpu.memref_squeeze %dma_start3A_207 : memref<1x40x128xf32, #tpu.memory_space<vmem>> -> memref<40x128xf32, #tpu.memory_space<vmem>>
      tpu.enqueue_dma source(%dma_start3A_208 : memref<40x128xf32, #tpu.memory_space<vmem>>) target(%dma_start3A_204 : memref<40x128xf32, #tpu.memory_space<hbm>>) target_semaphore(%dma_start3A_202 : memref<!tpu.dma_semaphore, #tpu.memory_space<semaphore_mem>>)
      %mul3A_209 = arith.constant 2 : i32
      %mul3A_210 = arith.muli %scan3A_79, %mul3A_209 : i32
      %add3A_211 = arith.constant 1 : i32
      %add3A_212 = arith.addi %mul3A_210, %add3A_211 : i32
      %mul3A_213 = arith.constant 40 : i32
      %mul3A_214 = arith.muli %add3A_212, %mul3A_213 : i32
      %add3A_215 = arith.addi %mul3A_2, %mul3A_214 : i32
      %dma_wait3A_216 = arith.constant 1 : i32
      %dma_wait3A_217 = arith.constant 1 : i32
      %dma_wait3A_218 = arith.constant 0 : i32
      %dma_wait3A_219 = arith.constant 0 : i32
      %dma_wait3A_220 = tpu.memref_slice %arg10[%dma_wait3A_216, %dma_wait3A_218, %dma_wait3A_219] : memref<2x40x128xf32, #tpu.memory_space<vmem>> -> memref<1x40x128xf32, #tpu.memory_space<vmem>>
      %dma_wait3A_221 = tpu.memref_squeeze %dma_wait3A_220 : memref<1x40x128xf32, #tpu.memory_space<vmem>> -> memref<40x128xf32, #tpu.memory_space<vmem>>
      %dma_wait3A_222 = tpu.memref_slice %arg8[%mul3A_121] : memref<10000xi32, #tpu.memory_space<vmem>> -> memref<40xi32, #tpu.memory_space<vmem>>
      %dma_wait3A_223 = arith.constant 0 : i32
      %dma_wait3A_224 = arith.constant 0 : i32
      %dma_wait3A_225 = tpu.memref_slice %arg2[%dma_wait3A_223, %dma_wait3A_224] : memref<10000x128xf32, #tpu.memory_space<hbm>> -> memref<10000x128xf32, #tpu.memory_space<hbm>>
      %dma_wait3A_226 = tpu.memref_slice %arg12[%dma_wait3A_217] : memref<2x!tpu.dma_semaphore, #tpu.memory_space<semaphore_mem>> -> memref<1x!tpu.dma_semaphore, #tpu.memory_space<semaphore_mem>>
      %dma_wait3A_227 = tpu.memref_squeeze %dma_wait3A_226 : memref<1x!tpu.dma_semaphore, #tpu.memory_space<semaphore_mem>> -> memref<!tpu.dma_semaphore, #tpu.memory_space<semaphore_mem>>
      tpu.wait_indirect_dma semaphore(%dma_wait3A_227 : memref<!tpu.dma_semaphore, #tpu.memory_space<semaphore_mem>>) src(%dma_wait3A_225 : memref<10000x128xf32, #tpu.memory_space<hbm>>) dst(%dma_wait3A_221 : memref<40x128xf32, #tpu.memory_space<vmem>>)
      %dma_wait3A_228 = arith.constant 1 : i32
      %dma_wait3A_229 = arith.constant 1 : i32
      %dma_wait3A_230 = arith.constant 0 : i32
      %dma_wait3A_231 = arith.constant 0 : i32
      %dma_wait3A_232 = tpu.memref_slice %arg11[%dma_wait3A_228, %dma_wait3A_230, %dma_wait3A_231] : memref<2x40x128xf32, #tpu.memory_space<vmem>> -> memref<1x40x128xf32, #tpu.memory_space<vmem>>
      %dma_wait3A_233 = tpu.memref_squeeze %dma_wait3A_232 : memref<1x40x128xf32, #tpu.memory_space<vmem>> -> memref<40x128xf32, #tpu.memory_space<vmem>>
      %dma_wait3A_234 = tpu.memref_slice %arg9[%mul3A_121] : memref<10000xi32, #tpu.memory_space<vmem>> -> memref<40xi32, #tpu.memory_space<vmem>>
      %dma_wait3A_235 = arith.constant 0 : i32
      %dma_wait3A_236 = arith.constant 0 : i32
      %dma_wait3A_237 = tpu.memref_slice %arg3[%dma_wait3A_235, %dma_wait3A_236] : memref<10000x128xf32, #tpu.memory_space<hbm>> -> memref<10000x128xf32, #tpu.memory_space<hbm>>
      %dma_wait3A_238 = tpu.memref_slice %arg12[%dma_wait3A_229] : memref<2x!tpu.dma_semaphore, #tpu.memory_space<semaphore_mem>> -> memref<1x!tpu.dma_semaphore, #tpu.memory_space<semaphore_mem>>
      %dma_wait3A_239 = tpu.memref_squeeze %dma_wait3A_238 : memref<1x!tpu.dma_semaphore, #tpu.memory_space<semaphore_mem>> -> memref<!tpu.dma_semaphore, #tpu.memory_space<semaphore_mem>>
      tpu.wait_indirect_dma semaphore(%dma_wait3A_239 : memref<!tpu.dma_semaphore, #tpu.memory_space<semaphore_mem>>) src(%dma_wait3A_237 : memref<10000x128xf32, #tpu.memory_space<hbm>>) dst(%dma_wait3A_233 : memref<40x128xf32, #tpu.memory_space<vmem>>)
      %dma_start3A_240 = arith.constant 1 : i32
      %dma_start3A_241 = arith.constant 1 : i32
      %dma_start3A_242 = arith.constant 0 : i32
      %dma_start3A_243 = arith.constant 0 : i32
      %dma_start3A_244 = tpu.memref_slice %arg10[%dma_start3A_240, %dma_start3A_242, %dma_start3A_243] : memref<2x40x128xf32, #tpu.memory_space<vmem>> -> memref<1x40x128xf32, #tpu.memory_space<vmem>>
      %dma_start3A_245 = tpu.memref_squeeze %dma_start3A_244 : memref<1x40x128xf32, #tpu.memory_space<vmem>> -> memref<40x128xf32, #tpu.memory_space<vmem>>
      %dma_start3A_246 = arith.constant 0 : i32
      %dma_start3A_247 = tpu.memref_slice %arg6[%add3A_215, %dma_start3A_246] : memref<320000x128xf32, #tpu.memory_space<hbm>> -> memref<40x128xf32, #tpu.memory_space<hbm>>
      %dma_start3A_248 = tpu.memref_slice %arg13[%dma_start3A_241] : memref<2x!tpu.dma_semaphore, #tpu.memory_space<semaphore_mem>> -> memref<1x!tpu.dma_semaphore, #tpu.memory_space<semaphore_mem>>
      %dma_start3A_249 = tpu.memref_squeeze %dma_start3A_248 : memref<1x!tpu.dma_semaphore, #tpu.memory_space<semaphore_mem>> -> memref<!tpu.dma_semaphore, #tpu.memory_space<semaphore_mem>>
      %dma_start3A_250 = arith.constant 0 : i32
      %dma_start3A_251 = tpu.memref_slice %arg6[%add3A_215, %dma_start3A_250] : memref<320000x128xf32, #tpu.memory_space<hbm>> -> memref<40x128xf32, #tpu.memory_space<hbm>>
      %dma_start3A_252 = arith.constant 0 : i32
      %dma_start3A_253 = arith.constant 0 : i32
      %dma_start3A_254 = tpu.memref_slice %arg10[%dma_start3A_240, %dma_start3A_252, %dma_start3A_253] : memref<2x40x128xf32, #tpu.memory_space<vmem>> -> memref<1x40x128xf32, #tpu.memory_space<vmem>>
      %dma_start3A_255 = tpu.memref_squeeze %dma_start3A_254 : memref<1x40x128xf32, #tpu.memory_space<vmem>> -> memref<40x128xf32, #tpu.memory_space<vmem>>
      tpu.enqueue_dma source(%dma_start3A_255 : memref<40x128xf32, #tpu.memory_space<vmem>>) target(%dma_start3A_251 : memref<40x128xf32, #tpu.memory_space<hbm>>) target_semaphore(%dma_start3A_249 : memref<!tpu.dma_semaphore, #tpu.memory_space<semaphore_mem>>)
      %dma_start3A_256 = arith.constant 1 : i32
      %dma_start3A_257 = arith.constant 1 : i32
      %dma_start3A_258 = arith.constant 0 : i32
      %dma_start3A_259 = arith.constant 0 : i32
      %dma_start3A_260 = tpu.memref_slice %arg11[%dma_start3A_256, %dma_start3A_258, %dma_start3A_259] : memref<2x40x128xf32, #tpu.memory_space<vmem>> -> memref<1x40x128xf32, #tpu.memory_space<vmem>>
      %dma_start3A_261 = tpu.memref_squeeze %dma_start3A_260 : memref<1x40x128xf32, #tpu.memory_space<vmem>> -> memref<40x128xf32, #tpu.memory_space<vmem>>
      %dma_start3A_262 = arith.constant 0 : i32
      %dma_start3A_263 = tpu.memref_slice %arg7[%add3A_215, %dma_start3A_262] : memref<320000x128xf32, #tpu.memory_space<hbm>> -> memref<40x128xf32, #tpu.memory_space<hbm>>
      %dma_start3A_264 = tpu.memref_slice %arg13[%dma_start3A_257] : memref<2x!tpu.dma_semaphore, #tpu.memory_space<semaphore_mem>> -> memref<1x!tpu.dma_semaphore, #tpu.memory_space<semaphore_mem>>
      %dma_start3A_265 = tpu.memref_squeeze %dma_start3A_264 : memref<1x!tpu.dma_semaphore, #tpu.memory_space<semaphore_mem>> -> memref<!tpu.dma_semaphore, #tpu.memory_space<semaphore_mem>>
      %dma_start3A_266 = arith.constant 0 : i32
      %dma_start3A_267 = tpu.memref_slice %arg7[%add3A_215, %dma_start3A_266] : memref<320000x128xf32, #tpu.memory_space<hbm>> -> memref<40x128xf32, #tpu.memory_space<hbm>>
      %dma_start3A_268 = arith.constant 0 : i32
      %dma_start3A_269 = arith.constant 0 : i32
      %dma_start3A_270 = tpu.memref_slice %arg11[%dma_start3A_256, %dma_start3A_268, %dma_start3A_269] : memref<2x40x128xf32, #tpu.memory_space<vmem>> -> memref<1x40x128xf32, #tpu.memory_space<vmem>>
      %dma_start3A_271 = tpu.memref_squeeze %dma_start3A_270 : memref<1x40x128xf32, #tpu.memory_space<vmem>> -> memref<40x128xf32, #tpu.memory_space<vmem>>
      tpu.enqueue_dma source(%dma_start3A_271 : memref<40x128xf32, #tpu.memory_space<vmem>>) target(%dma_start3A_267 : memref<40x128xf32, #tpu.memory_space<hbm>>) target_semaphore(%dma_start3A_265 : memref<!tpu.dma_semaphore, #tpu.memory_space<semaphore_mem>>)
    }
    %scan3A_7 = arith.constant 125 : i32
    %dma_wait3A = arith.constant 0 : i32
    %dma_wait3A_8 = arith.constant 0 : i32
    %dma_wait3A_9 = arith.constant 0 : i32
    %dma_wait3A_10 = arith.constant 0 : i32
    %dma_wait3A_11 = tpu.memref_slice %arg10[%dma_wait3A, %dma_wait3A_9, %dma_wait3A_10] : memref<2x40x128xf32, #tpu.memory_space<vmem>> -> memref<1x40x128xf32, #tpu.memory_space<vmem>>
    %dma_wait3A_12 = tpu.memref_squeeze %dma_wait3A_11 : memref<1x40x128xf32, #tpu.memory_space<vmem>> -> memref<40x128xf32, #tpu.memory_space<vmem>>
    %dma_wait3A_13 = arith.constant 0 : i32
    %dma_wait3A_14 = arith.constant 0 : i32
    %dma_wait3A_15 = tpu.memref_slice %arg2[%dma_wait3A_13, %dma_wait3A_14] : memref<10000x128xf32, #tpu.memory_space<hbm>> -> memref<40x128xf32, #tpu.memory_space<hbm>>
    %dma_wait3A_16 = tpu.memref_slice %arg13[%dma_wait3A_8] : memref<2x!tpu.dma_semaphore, #tpu.memory_space<semaphore_mem>> -> memref<1x!tpu.dma_semaphore, #tpu.memory_space<semaphore_mem>>
    %dma_wait3A_17 = tpu.memref_squeeze %dma_wait3A_16 : memref<1x!tpu.dma_semaphore, #tpu.memory_space<semaphore_mem>> -> memref<!tpu.dma_semaphore, #tpu.memory_space<semaphore_mem>>
    %dma_wait3A_18 = arith.constant 0 : i32
    %dma_wait3A_19 = arith.constant 0 : i32
    %dma_wait3A_20 = tpu.memref_slice %arg10[%dma_wait3A, %dma_wait3A_18, %dma_wait3A_19] : memref<2x40x128xf32, #tpu.memory_space<vmem>> -> memref<1x40x128xf32, #tpu.memory_space<vmem>>
    %dma_wait3A_21 = tpu.memref_squeeze %dma_wait3A_20 : memref<1x40x128xf32, #tpu.memory_space<vmem>> -> memref<40x128xf32, #tpu.memory_space<vmem>>
    %dma_wait3A_22 = arith.constant 0 : i32
    %dma_wait3A_23 = arith.constant 0 : i32
    %dma_wait3A_24 = tpu.memref_slice %arg2[%dma_wait3A_22, %dma_wait3A_23] : memref<10000x128xf32, #tpu.memory_space<hbm>> -> memref<40x128xf32, #tpu.memory_space<hbm>>
    tpu.wait_dma2 semaphore(%dma_wait3A_17 : memref<!tpu.dma_semaphore, #tpu.memory_space<semaphore_mem>>) src(%dma_wait3A_24 : memref<40x128xf32, #tpu.memory_space<hbm>>) dst(%dma_wait3A_21 : memref<40x128xf32, #tpu.memory_space<vmem>>)
    %dma_wait3A_25 = arith.constant 0 : i32
    %dma_wait3A_26 = arith.constant 0 : i32
    %dma_wait3A_27 = arith.constant 0 : i32
    %dma_wait3A_28 = arith.constant 0 : i32
    %dma_wait3A_29 = tpu.memref_slice %arg11[%dma_wait3A_25, %dma_wait3A_27, %dma_wait3A_28] : memref<2x40x128xf32, #tpu.memory_space<vmem>> -> memref<1x40x128xf32, #tpu.memory_space<vmem>>
    %dma_wait3A_30 = tpu.memref_squeeze %dma_wait3A_29 : memref<1x40x128xf32, #tpu.memory_space<vmem>> -> memref<40x128xf32, #tpu.memory_space<vmem>>
    %dma_wait3A_31 = arith.constant 0 : i32
    %dma_wait3A_32 = arith.constant 0 : i32
    %dma_wait3A_33 = tpu.memref_slice %arg2[%dma_wait3A_31, %dma_wait3A_32] : memref<10000x128xf32, #tpu.memory_space<hbm>> -> memref<40x128xf32, #tpu.memory_space<hbm>>
    %dma_wait3A_34 = tpu.memref_slice %arg13[%dma_wait3A_26] : memref<2x!tpu.dma_semaphore, #tpu.memory_space<semaphore_mem>> -> memref<1x!tpu.dma_semaphore, #tpu.memory_space<semaphore_mem>>
    %dma_wait3A_35 = tpu.memref_squeeze %dma_wait3A_34 : memref<1x!tpu.dma_semaphore, #tpu.memory_space<semaphore_mem>> -> memref<!tpu.dma_semaphore, #tpu.memory_space<semaphore_mem>>
    %dma_wait3A_36 = arith.constant 0 : i32
    %dma_wait3A_37 = arith.constant 0 : i32
    %dma_wait3A_38 = tpu.memref_slice %arg11[%dma_wait3A_25, %dma_wait3A_36, %dma_wait3A_37] : memref<2x40x128xf32, #tpu.memory_space<vmem>> -> memref<1x40x128xf32, #tpu.memory_space<vmem>>
    %dma_wait3A_39 = tpu.memref_squeeze %dma_wait3A_38 : memref<1x40x128xf32, #tpu.memory_space<vmem>> -> memref<40x128xf32, #tpu.memory_space<vmem>>
    %dma_wait3A_40 = arith.constant 0 : i32
    %dma_wait3A_41 = arith.constant 0 : i32
    %dma_wait3A_42 = tpu.memref_slice %arg2[%dma_wait3A_40, %dma_wait3A_41] : memref<10000x128xf32, #tpu.memory_space<hbm>> -> memref<40x128xf32, #tpu.memory_space<hbm>>
    tpu.wait_dma2 semaphore(%dma_wait3A_35 : memref<!tpu.dma_semaphore, #tpu.memory_space<semaphore_mem>>) src(%dma_wait3A_42 : memref<40x128xf32, #tpu.memory_space<hbm>>) dst(%dma_wait3A_39 : memref<40x128xf32, #tpu.memory_space<vmem>>)
    %dma_wait3A_43 = arith.constant 1 : i32
    %dma_wait3A_44 = arith.constant 1 : i32
    %dma_wait3A_45 = arith.constant 0 : i32
    %dma_wait3A_46 = arith.constant 0 : i32
    %dma_wait3A_47 = tpu.memref_slice %arg10[%dma_wait3A_43, %dma_wait3A_45, %dma_wait3A_46] : memref<2x40x128xf32, #tpu.memory_space<vmem>> -> memref<1x40x128xf32, #tpu.memory_space<vmem>>
    %dma_wait3A_48 = tpu.memref_squeeze %dma_wait3A_47 : memref<1x40x128xf32, #tpu.memory_space<vmem>> -> memref<40x128xf32, #tpu.memory_space<vmem>>
    %dma_wait3A_49 = arith.constant 0 : i32
    %dma_wait3A_50 = arith.constant 0 : i32
    %dma_wait3A_51 = tpu.memref_slice %arg2[%dma_wait3A_49, %dma_wait3A_50] : memref<10000x128xf32, #tpu.memory_space<hbm>> -> memref<40x128xf32, #tpu.memory_space<hbm>>
    %dma_wait3A_52 = tpu.memref_slice %arg13[%dma_wait3A_44] : memref<2x!tpu.dma_semaphore, #tpu.memory_space<semaphore_mem>> -> memref<1x!tpu.dma_semaphore, #tpu.memory_space<semaphore_mem>>
    %dma_wait3A_53 = tpu.memref_squeeze %dma_wait3A_52 : memref<1x!tpu.dma_semaphore, #tpu.memory_space<semaphore_mem>> -> memref<!tpu.dma_semaphore, #tpu.memory_space<semaphore_mem>>
    %dma_wait3A_54 = arith.constant 0 : i32
    %dma_wait3A_55 = arith.constant 0 : i32
    %dma_wait3A_56 = tpu.memref_slice %arg10[%dma_wait3A_43, %dma_wait3A_54, %dma_wait3A_55] : memref<2x40x128xf32, #tpu.memory_space<vmem>> -> memref<1x40x128xf32, #tpu.memory_space<vmem>>
    %dma_wait3A_57 = tpu.memref_squeeze %dma_wait3A_56 : memref<1x40x128xf32, #tpu.memory_space<vmem>> -> memref<40x128xf32, #tpu.memory_space<vmem>>
    %dma_wait3A_58 = arith.constant 0 : i32
    %dma_wait3A_59 = arith.constant 0 : i32
    %dma_wait3A_60 = tpu.memref_slice %arg2[%dma_wait3A_58, %dma_wait3A_59] : memref<10000x128xf32, #tpu.memory_space<hbm>> -> memref<40x128xf32, #tpu.memory_space<hbm>>
    tpu.wait_dma2 semaphore(%dma_wait3A_53 : memref<!tpu.dma_semaphore, #tpu.memory_space<semaphore_mem>>) src(%dma_wait3A_60 : memref<40x128xf32, #tpu.memory_space<hbm>>) dst(%dma_wait3A_57 : memref<40x128xf32, #tpu.memory_space<vmem>>)
    %dma_wait3A_61 = arith.constant 1 : i32
    %dma_wait3A_62 = arith.constant 1 : i32
    %dma_wait3A_63 = arith.constant 0 : i32
    %dma_wait3A_64 = arith.constant 0 : i32
    %dma_wait3A_65 = tpu.memref_slice %arg11[%dma_wait3A_61, %dma_wait3A_63, %dma_wait3A_64] : memref<2x40x128xf32, #tpu.memory_space<vmem>> -> memref<1x40x128xf32, #tpu.memory_space<vmem>>
    %dma_wait3A_66 = tpu.memref_squeeze %dma_wait3A_65 : memref<1x40x128xf32, #tpu.memory_space<vmem>> -> memref<40x128xf32, #tpu.memory_space<vmem>>
    %dma_wait3A_67 = arith.constant 0 : i32
    %dma_wait3A_68 = arith.constant 0 : i32
    %dma_wait3A_69 = tpu.memref_slice %arg2[%dma_wait3A_67, %dma_wait3A_68] : memref<10000x128xf32, #tpu.memory_space<hbm>> -> memref<40x128xf32, #tpu.memory_space<hbm>>
    %dma_wait3A_70 = tpu.memref_slice %arg13[%dma_wait3A_62] : memref<2x!tpu.dma_semaphore, #tpu.memory_space<semaphore_mem>> -> memref<1x!tpu.dma_semaphore, #tpu.memory_space<semaphore_mem>>
    %dma_wait3A_71 = tpu.memref_squeeze %dma_wait3A_70 : memref<1x!tpu.dma_semaphore, #tpu.memory_space<semaphore_mem>> -> memref<!tpu.dma_semaphore, #tpu.memory_space<semaphore_mem>>
    %dma_wait3A_72 = arith.constant 0 : i32
    %dma_wait3A_73 = arith.constant 0 : i32
    %dma_wait3A_74 = tpu.memref_slice %arg11[%dma_wait3A_61, %dma_wait3A_72, %dma_wait3A_73] : memref<2x40x128xf32, #tpu.memory_space<vmem>> -> memref<1x40x128xf32, #tpu.memory_space<vmem>>
    %dma_wait3A_75 = tpu.memref_squeeze %dma_wait3A_74 : memref<1x40x128xf32, #tpu.memory_space<vmem>> -> memref<40x128xf32, #tpu.memory_space<vmem>>
    %dma_wait3A_76 = arith.constant 0 : i32
    %dma_wait3A_77 = arith.constant 0 : i32
    %dma_wait3A_78 = tpu.memref_slice %arg2[%dma_wait3A_76, %dma_wait3A_77] : memref<10000x128xf32, #tpu.memory_space<hbm>> -> memref<40x128xf32, #tpu.memory_space<hbm>>
    tpu.wait_dma2 semaphore(%dma_wait3A_71 : memref<!tpu.dma_semaphore, #tpu.memory_space<semaphore_mem>>) src(%dma_wait3A_78 : memref<40x128xf32, #tpu.memory_space<hbm>>) dst(%dma_wait3A_75 : memref<40x128xf32, #tpu.memory_space<vmem>>)
    return
  }
}

module attributes {stable_mosaic.version = 14 : i64} {
  func.func @_pre_body(%arg0: memref<10000x128xf32, #tpu.memory_space<vmem>>, %arg1: memref<128x128xf32, #tpu.memory_space<vmem>>, %arg2: memref<128x128xf32, #tpu.memory_space<vmem>>, %arg3: memref<10000x128xf32, #tpu.memory_space<vmem>>, %arg4: memref<10000x128xf32, #tpu.memory_space<vmem>>) attributes {dimension_semantics = [], scalar_prefetch = 0 : i64, scratch_operands = 0 : i64, tpu.core_type = #tpu.core_type<tc>} {
    %get3A = arith.constant 0 : index
    %get3A_0 = arith.constant 0 : index
    %get3A_1 = vector.load %arg0[%get3A, %get3A_0] : memref<10000x128xf32, #tpu.memory_space<vmem>>, vector<10000x128xf32>
    %get3A_2 = arith.constant 0 : index
    %get3A_3 = arith.constant 0 : index
    %get3A_4 = vector.load %arg1[%get3A_2, %get3A_3] : memref<128x128xf32, #tpu.memory_space<vmem>>, vector<128x128xf32>
    %dot_general3A = arith.constant dense<0.000000e+00> : vector<10000x128xf32>
    %dot_general3A_5 = tpu.matmul %get3A_1, %get3A_4, %dot_general3A {dimension_numbers = #tpu.dot_dimension_numbers<[1], [0], [0], [1], [0, 0, 1, 1], [], []>, transpose_lhs_hint = false} : vector<10000x128xf32>, vector<128x128xf32>, vector<10000x128xf32> -> vector<10000x128xf32>
    %swap3A = arith.constant 0 : index
    %swap3A_6 = arith.constant 0 : index
    %swap3A_7 = vector.load %arg3[%swap3A, %swap3A_6] : memref<10000x128xf32, #tpu.memory_space<vmem>>, vector<10000x128xf32>
    tpu.vector_store %arg3[%swap3A, %swap3A_6], %dot_general3A_5 {strides = array<i32>} : memref<10000x128xf32, #tpu.memory_space<vmem>>, vector<10000x128xf32>,
    %get3A_8 = arith.constant 0 : index
    %get3A_9 = arith.constant 0 : index
    %get3A_10 = vector.load %arg2[%get3A_8, %get3A_9] : memref<128x128xf32, #tpu.memory_space<vmem>>, vector<128x128xf32>
    %dot_general3A_11 = arith.constant dense<0.000000e+00> : vector<10000x128xf32>
    %dot_general3A_12 = tpu.matmul %get3A_1, %get3A_10, %dot_general3A_11 {dimension_numbers = #tpu.dot_dimension_numbers<[1], [0], [0], [1], [0, 0, 1, 1], [], []>, transpose_lhs_hint = false} : vector<10000x128xf32>, vector<128x128xf32>, vector<10000x128xf32> -> vector<10000x128xf32>
    %swap3A_13 = arith.constant 0 : index
    %swap3A_14 = arith.constant 0 : index
    %swap3A_15 = vector.load %arg4[%swap3A_13, %swap3A_14] : memref<10000x128xf32, #tpu.memory_space<vmem>>, vector<10000x128xf32>
    tpu.vector_store %arg4[%swap3A_13, %swap3A_14], %dot_general3A_12 {strides = array<i32>} : memref<10000x128xf32, #tpu.memory_space<vmem>>, vector<10000x128xf32>,
    return
  }
}

module attributes {stable_mosaic.version = 14 : i64} {
  func.func @_edge_mlp_body(%arg0: i32, %arg1: memref<4000x128xf32, #tpu.memory_space<vmem>>, %arg2: memref<4000x128xf32, #tpu.memory_space<vmem>>, %arg3: memref<4000x16xf32, #tpu.memory_space<vmem>>, %arg4: memref<16x128xf32, #tpu.memory_space<vmem>>, %arg5: memref<1x128xf32, #tpu.memory_space<vmem>>, %arg6: memref<128x128xf32, #tpu.memory_space<vmem>>, %arg7: memref<1x128xf32, #tpu.memory_space<vmem>>, %arg8: memref<4000x128xf32, #tpu.memory_space<vmem>>) attributes {dimension_semantics = [#tpu.dimension_semantics<arbitrary>], iteration_bounds = array<i64: 80>, scalar_prefetch = 0 : i64, scratch_operands = 0 : i64, tpu.core_type = #tpu.core_type<tc>, window_params = [{transform_indices = @transform_0, window_bounds = array<i64: 4000, 128>}, {transform_indices = @transform_1, window_bounds = array<i64: 4000, 128>}, {transform_indices = @transform_2, window_bounds = array<i64: 4000, 16>}, {pipeline_mode = #tpu.pipeline_mode<synchronous>, transform_indices = @transform_3, window_bounds = array<i64: 16, 128>}, {pipeline_mode = #tpu.pipeline_mode<synchronous>, transform_indices = @transform_4, window_bounds = array<i64: 1, 128>}, {pipeline_mode = #tpu.pipeline_mode<synchronous>, transform_indices = @transform_5, window_bounds = array<i64: 128, 128>}, {pipeline_mode = #tpu.pipeline_mode<synchronous>, transform_indices = @transform_6, window_bounds = array<i64: 1, 128>}, {transform_indices = @transform_7, window_bounds = array<i64: 4000, 128>}]} {
    %get3A = arith.constant 0 : index
    %get3A_0 = arith.constant 0 : index
    %get3A_1 = vector.load %arg1[%get3A, %get3A_0] : memref<4000x128xf32, #tpu.memory_space<vmem>>, vector<4000x128xf32>
    %get3A_2 = arith.constant 0 : index
    %get3A_3 = arith.constant 0 : index
    %get3A_4 = vector.load %arg2[%get3A_2, %get3A_3] : memref<4000x128xf32, #tpu.memory_space<vmem>>, vector<4000x128xf32>
    %add3A = arith.addf %get3A_1, %get3A_4 : vector<4000x128xf32>
    %get3A_5 = arith.constant 0 : index
    %get3A_6 = arith.constant 0 : index
    %get3A_7 = vector.load %arg3[%get3A_5, %get3A_6] : memref<4000x16xf32, #tpu.memory_space<vmem>>, vector<4000x16xf32>
    %get3A_8 = arith.constant 0 : index
    %get3A_9 = arith.constant 0 : index
    %get3A_10 = vector.load %arg4[%get3A_8, %get3A_9] : memref<16x128xf32, #tpu.memory_space<vmem>>, vector<16x128xf32>
    %dot_general3A = arith.constant dense<0.000000e+00> : vector<4000x128xf32>
    %dot_general3A_11 = tpu.matmul %get3A_7, %get3A_10, %dot_general3A {dimension_numbers = #tpu.dot_dimension_numbers<[1], [0], [0], [1], [0, 0, 1, 1], [], []>, transpose_lhs_hint = false} : vector<4000x16xf32>, vector<16x128xf32>, vector<4000x128xf32> -> vector<4000x128xf32>
    %add3A_12 = arith.addf %add3A, %dot_general3A_11 : vector<4000x128xf32>
    %get3A_13 = arith.constant 0 : index
    %get3A_14 = arith.constant 0 : index
    %get3A_15 = vector.load %arg5[%get3A_13, %get3A_14] : memref<1x128xf32, #tpu.memory_space<vmem>>, vector<1x128xf32>
    %add3A_16 = vector.broadcast %get3A_15 : vector<1x128xf32> to vector<4000x128xf32>
    %add3A_17 = arith.addf %add3A_12, %add3A_16 : vector<4000x128xf32>
    %logistic3A = arith.negf %add3A_17 : vector<4000x128xf32>
    %logistic3A_18 = math.exp %logistic3A : vector<4000x128xf32>
    %logistic3A_19 = arith.constant 1.000000e+00 : f32
    %logistic3A_20 = vector.broadcast %logistic3A_19 : f32 to vector<4000x128xf32>
    %logistic3A_21 = arith.addf %logistic3A_20, %logistic3A_18 : vector<4000x128xf32>
    %logistic3A_22 = arith.divf %logistic3A_20, %logistic3A_21 : vector<4000x128xf32>
    %mul3A = arith.mulf %add3A_17, %logistic3A_22 : vector<4000x128xf32>
    %get3A_23 = arith.constant 0 : index
    %get3A_24 = arith.constant 0 : index
    %get3A_25 = vector.load %arg6[%get3A_23, %get3A_24] : memref<128x128xf32, #tpu.memory_space<vmem>>, vector<128x128xf32>
    %dot_general3A_26 = arith.constant dense<0.000000e+00> : vector<4000x128xf32>
    %dot_general3A_27 = tpu.matmul %mul3A, %get3A_25, %dot_general3A_26 {dimension_numbers = #tpu.dot_dimension_numbers<[1], [0], [0], [1], [0, 0, 1, 1], [], []>, transpose_lhs_hint = false} : vector<4000x128xf32>, vector<128x128xf32>, vector<4000x128xf32> -> vector<4000x128xf32>
    %get3A_28 = arith.constant 0 : index
    %get3A_29 = arith.constant 0 : index
    %get3A_30 = vector.load %arg7[%get3A_28, %get3A_29] : memref<1x128xf32, #tpu.memory_space<vmem>>, vector<1x128xf32>
    %add3A_31 = vector.broadcast %get3A_30 : vector<1x128xf32> to vector<4000x128xf32>
    %add3A_32 = arith.addf %dot_general3A_27, %add3A_31 : vector<4000x128xf32>
    %logistic3A_33 = arith.negf %add3A_32 : vector<4000x128xf32>
    %logistic3A_34 = math.exp %logistic3A_33 : vector<4000x128xf32>
    %logistic3A_35 = arith.constant 1.000000e+00 : f32
    %logistic3A_36 = vector.broadcast %logistic3A_35 : f32 to vector<4000x128xf32>
    %logistic3A_37 = arith.addf %logistic3A_36, %logistic3A_34 : vector<4000x128xf32>
    %logistic3A_38 = arith.divf %logistic3A_36, %logistic3A_37 : vector<4000x128xf32>
    %mul3A_39 = arith.mulf %add3A_32, %logistic3A_38 : vector<4000x128xf32>
    %swap3A = arith.constant 0 : index
    %swap3A_40 = arith.constant 0 : index
    %swap3A_41 = vector.load %arg8[%swap3A, %swap3A_40] : memref<4000x128xf32, #tpu.memory_space<vmem>>, vector<4000x128xf32>
    tpu.vector_store %arg8[%swap3A, %swap3A_40], %mul3A_39 {strides = array<i32>} : memref<4000x128xf32, #tpu.memory_space<vmem>>, vector<4000x128xf32>,
    return
  }
  func.func @transform_0(%arg0: i32) -> (i32, i32) {
    %c0_i32 = arith.constant 0 : i32
    %c0_i32_0 = arith.constant 0 : i32
    return %arg0, %c0_i32 : i32, i32
  }
  func.func @transform_1(%arg0: i32) -> (i32, i32) {
    %c0_i32 = arith.constant 0 : i32
    %c0_i32_0 = arith.constant 0 : i32
    return %arg0, %c0_i32 : i32, i32
  }
  func.func @transform_2(%arg0: i32) -> (i32, i32) {
    %c0_i32 = arith.constant 0 : i32
    %c0_i32_0 = arith.constant 0 : i32
    return %arg0, %c0_i32 : i32, i32
  }
  func.func @transform_3(%arg0: i32) -> (i32, i32) {
    %c0_i32 = arith.constant 0 : i32
    %c0_i32_0 = arith.constant 0 : i32
    %c0_i32_1 = arith.constant 0 : i32
    return %c0_i32, %c0_i32_0 : i32, i32
  }
  func.func @transform_4(%arg0: i32) -> (i32, i32) {
    %c0_i32 = arith.constant 0 : i32
    %c0_i32_0 = arith.constant 0 : i32
    %c0_i32_1 = arith.constant 0 : i32
    return %c0_i32, %c0_i32_0 : i32, i32
  }
  func.func @transform_5(%arg0: i32) -> (i32, i32) {
    %c0_i32 = arith.constant 0 : i32
    %c0_i32_0 = arith.constant 0 : i32
    %c0_i32_1 = arith.constant 0 : i32
    return %c0_i32, %c0_i32_0 : i32, i32
  }
  func.func @transform_6(%arg0: i32) -> (i32, i32) {
    %c0_i32 = arith.constant 0 : i32
    %c0_i32_0 = arith.constant 0 : i32
    %c0_i32_1 = arith.constant 0 : i32
    return %c0_i32, %c0_i32_0 : i32, i32
  }
  func.func @transform_7(%arg0: i32) -> (i32, i32) {
    %c0_i32 = arith.constant 0 : i32
    %c0_i32_0 = arith.constant 0 : i32
    return %arg0, %c0_i32 : i32, i32
  }
}

module attributes {stable_mosaic.version = 14 : i64} {
  func.func @_node_mlp_body(%arg0: i32, %arg1: memref<2000x128xf32, #tpu.memory_space<vmem>>, %arg2: memref<2x2000x128xf32, #tpu.memory_space<vmem>>, %arg3: memref<128x128xf32, #tpu.memory_space<vmem>>, %arg4: memref<128x128xf32, #tpu.memory_space<vmem>>, %arg5: memref<1x128xf32, #tpu.memory_space<vmem>>, %arg6: memref<128x128xf32, #tpu.memory_space<vmem>>, %arg7: memref<1x128xf32, #tpu.memory_space<vmem>>, %arg8: memref<2000x128xf32, #tpu.memory_space<vmem>>) attributes {dimension_semantics = [#tpu.dimension_semantics<arbitrary>], iteration_bounds = array<i64: 5>, scalar_prefetch = 0 : i64, scratch_operands = 0 : i64, tpu.core_type = #tpu.core_type<tc>, window_params = [{transform_indices = @transform_0, window_bounds = array<i64: 2000, 128>}, {transform_indices = @transform_1, window_bounds = array<i64: 2, 2000, 128>}, {pipeline_mode = #tpu.pipeline_mode<synchronous>, transform_indices = @transform_2, window_bounds = array<i64: 128, 128>}, {pipeline_mode = #tpu.pipeline_mode<synchronous>, transform_indices = @transform_3, window_bounds = array<i64: 128, 128>}, {pipeline_mode = #tpu.pipeline_mode<synchronous>, transform_indices = @transform_4, window_bounds = array<i64: 1, 128>}, {pipeline_mode = #tpu.pipeline_mode<synchronous>, transform_indices = @transform_5, window_bounds = array<i64: 128, 128>}, {pipeline_mode = #tpu.pipeline_mode<synchronous>, transform_indices = @transform_6, window_bounds = array<i64: 1, 128>}, {transform_indices = @transform_7, window_bounds = array<i64: 2000, 128>}]} {
    %get3A = arith.constant 0 : index
    %get3A_0 = arith.constant 0 : index
    %get3A_1 = arith.constant 0 : index
    %get3A_2 = vector.load %arg2[%get3A, %get3A_0, %get3A_1] : memref<2x2000x128xf32, #tpu.memory_space<vmem>>, vector<1x2000x128xf32>
    %get3A_3 = vector.shape_cast %get3A_2 : vector<1x2000x128xf32> to vector<2000x128xf32>
    %get3A_4 = arith.constant 1 : index
    %get3A_5 = arith.constant 0 : index
    %get3A_6 = arith.constant 0 : index
    %get3A_7 = vector.load %arg2[%get3A_4, %get3A_5, %get3A_6] : memref<2x2000x128xf32, #tpu.memory_space<vmem>>, vector<1x2000x128xf32>
    %get3A_8 = vector.shape_cast %get3A_7 : vector<1x2000x128xf32> to vector<2000x128xf32>
    %add3A = arith.addf %get3A_3, %get3A_8 : vector<2000x128xf32>
    %get3A_9 = arith.constant 0 : index
    %get3A_10 = arith.constant 0 : index
    %get3A_11 = vector.load %arg1[%get3A_9, %get3A_10] : memref<2000x128xf32, #tpu.memory_space<vmem>>, vector<2000x128xf32>
    %get3A_12 = arith.constant 0 : index
    %get3A_13 = arith.constant 0 : index
    %get3A_14 = vector.load %arg3[%get3A_12, %get3A_13] : memref<128x128xf32, #tpu.memory_space<vmem>>, vector<128x128xf32>
    %dot_general3A = arith.constant dense<0.000000e+00> : vector<2000x128xf32>
    %dot_general3A_15 = tpu.matmul %get3A_11, %get3A_14, %dot_general3A {dimension_numbers = #tpu.dot_dimension_numbers<[1], [0], [0], [1], [0, 0, 1, 1], [], []>, transpose_lhs_hint = false} : vector<2000x128xf32>, vector<128x128xf32>, vector<2000x128xf32> -> vector<2000x128xf32>
    %get3A_16 = arith.constant 0 : index
    %get3A_17 = arith.constant 0 : index
    %get3A_18 = vector.load %arg4[%get3A_16, %get3A_17] : memref<128x128xf32, #tpu.memory_space<vmem>>, vector<128x128xf32>
    %dot_general3A_19 = arith.constant dense<0.000000e+00> : vector<2000x128xf32>
    %dot_general3A_20 = tpu.matmul %add3A, %get3A_18, %dot_general3A_19 {dimension_numbers = #tpu.dot_dimension_numbers<[1], [0], [0], [1], [0, 0, 1, 1], [], []>, transpose_lhs_hint = false} : vector<2000x128xf32>, vector<128x128xf32>, vector<2000x128xf32> -> vector<2000x128xf32>
    %add3A_21 = arith.addf %dot_general3A_15, %dot_general3A_20 : vector<2000x128xf32>
    %get3A_22 = arith.constant 0 : index
    %get3A_23 = arith.constant 0 : index
    %get3A_24 = vector.load %arg5[%get3A_22, %get3A_23] : memref<1x128xf32, #tpu.memory_space<vmem>>, vector<1x128xf32>
    %add3A_25 = vector.broadcast %get3A_24 : vector<1x128xf32> to vector<2000x128xf32>
    %add3A_26 = arith.addf %add3A_21, %add3A_25 : vector<2000x128xf32>
    %logistic3A = arith.negf %add3A_26 : vector<2000x128xf32>
    %logistic3A_27 = math.exp %logistic3A : vector<2000x128xf32>
    %logistic3A_28 = arith.constant 1.000000e+00 : f32
    %logistic3A_29 = vector.broadcast %logistic3A_28 : f32 to vector<2000x128xf32>
    %logistic3A_30 = arith.addf %logistic3A_29, %logistic3A_27 : vector<2000x128xf32>
    %logistic3A_31 = arith.divf %logistic3A_29, %logistic3A_30 : vector<2000x128xf32>
    %mul3A = arith.mulf %add3A_26, %logistic3A_31 : vector<2000x128xf32>
    %get3A_32 = arith.constant 0 : index
    %get3A_33 = arith.constant 0 : index
    %get3A_34 = vector.load %arg6[%get3A_32, %get3A_33] : memref<128x128xf32, #tpu.memory_space<vmem>>, vector<128x128xf32>
    %dot_general3A_35 = arith.constant dense<0.000000e+00> : vector<2000x128xf32>
    %dot_general3A_36 = tpu.matmul %mul3A, %get3A_34, %dot_general3A_35 {dimension_numbers = #tpu.dot_dimension_numbers<[1], [0], [0], [1], [0, 0, 1, 1], [], []>, transpose_lhs_hint = false} : vector<2000x128xf32>, vector<128x128xf32>, vector<2000x128xf32> -> vector<2000x128xf32>
    %get3A_37 = arith.constant 0 : index
    %get3A_38 = arith.constant 0 : index
    %get3A_39 = vector.load %arg7[%get3A_37, %get3A_38] : memref<1x128xf32, #tpu.memory_space<vmem>>, vector<1x128xf32>
    %add3A_40 = vector.broadcast %get3A_39 : vector<1x128xf32> to vector<2000x128xf32>
    %add3A_41 = arith.addf %dot_general3A_36, %add3A_40 : vector<2000x128xf32>
    %swap3A = arith.constant 0 : index
    %swap3A_42 = arith.constant 0 : index
    %swap3A_43 = vector.load %arg8[%swap3A, %swap3A_42] : memref<2000x128xf32, #tpu.memory_space<vmem>>, vector<2000x128xf32>
    tpu.vector_store %arg8[%swap3A, %swap3A_42], %add3A_41 {strides = array<i32>} : memref<2000x128xf32, #tpu.memory_space<vmem>>, vector<2000x128xf32>,
    return
  }
  func.func @transform_0(%arg0: i32) -> (i32, i32) {
    %c0_i32 = arith.constant 0 : i32
    %c0_i32_0 = arith.constant 0 : i32
    return %arg0, %c0_i32 : i32, i32
  }
  func.func @transform_1(%arg0: i32) -> (i32, i32, i32) {
    %c0_i32 = arith.constant 0 : i32
    %c0_i32_0 = arith.constant 0 : i32
    %c0_i32_1 = arith.constant 0 : i32
    return %c0_i32, %arg0, %c0_i32_0 : i32, i32, i32
  }
  func.func @transform_2(%arg0: i32) -> (i32, i32) {
    %c0_i32 = arith.constant 0 : i32
    %c0_i32_0 = arith.constant 0 : i32
    %c0_i32_1 = arith.constant 0 : i32
    return %c0_i32, %c0_i32_0 : i32, i32
  }
  func.func @transform_3(%arg0: i32) -> (i32, i32) {
    %c0_i32 = arith.constant 0 : i32
    %c0_i32_0 = arith.constant 0 : i32
    %c0_i32_1 = arith.constant 0 : i32
    return %c0_i32, %c0_i32_0 : i32, i32
  }
  func.func @transform_4(%arg0: i32) -> (i32, i32) {
    %c0_i32 = arith.constant 0 : i32
    %c0_i32_0 = arith.constant 0 : i32
    %c0_i32_1 = arith.constant 0 : i32
    return %c0_i32, %c0_i32_0 : i32, i32
  }
  func.func @transform_5(%arg0: i32) -> (i32, i32) {
    %c0_i32 = arith.constant 0 : i32
    %c0_i32_0 = arith.constant 0 : i32
    %c0_i32_1 = arith.constant 0 : i32
    return %c0_i32, %c0_i32_0 : i32, i32
  }
  func.func @transform_6(%arg0: i32) -> (i32, i32) {
    %c0_i32 = arith.constant 0 : i32
    %c0_i32_0 = arith.constant 0 : i32
    %c0_i32_1 = arith.constant 0 : i32
    return %c0_i32, %c0_i32_0 : i32, i32
  }
  func.func @transform_7(%arg0: i32) -> (i32, i32) {
    %c0_i32 = arith.constant 0 : i32
    %c0_i32_0 = arith.constant 0 : i32
    return %arg0, %c0_i32 : i32, i32
  }
}

</mosaic_0001>

<sc_bundles>
// kernel: kernel.10.cloned.1.call-start
scs
__scs_entry_jumppad:
0x0: {  	(pc) =	sbr.rel $0x88, $3  }
0x1: {  	(tag) =	ssettag $0x0;
	lr =	simm.s32 $0x1  }
0x2: {  	[smem:$0x3F96] =	sst lr;
	_ =	strace $0xD0000000  }
0x3: {  	_ = 	snop  }
0x4: {  	_ = 	snop  }
0x5: {  	_ = 	snop  }
0x6: {  	_ = 	snop  }
0x7: {  	_ = 	snop  }
__scs_overlays_trampoline_lowered:
0x8: {  	[smem:$0x3FA5] =	sst s0  }
0x9: {  	[smem:$0x3FA6] =	sst s1  }
0xa: {  	[smem:$0x3FA7] =	sst s2  }
0xb: {  	[smem:$0x3FA8] =	sst s3  }
0xc: {  	[smem:$0x3FA9] =	sst s4  }
0xd: {  	[smem:$0x3FAA] =	sst s5  }
0xe: {  	[smem:$0x3FAB] =	sst s6  }
0xf: {  	[smem:$0x3FAC] =	sst s7  }
0x10: {  	[smem:$0x3FAD] =	sst s8  }
0x11: {  	[smem:$0x3FAE] =	sst s9;
	s0 =	simm.s32 @!p0 $0x0  }
0x12: {  	s1 =	sld [smem:$0x3F94];
	s0 =	simm.s32 @p0 $0x1  }
0x13: {  	[smem:$0x3FAF] =	sst s0;
	s0 =	simm.s32 @!p1 $0x0  }
0x14: {  	s2 =	sld [smem:$0x3F93];
	s0 =	simm.s32 @p1 $0x1  }
0x15: {  	[smem:$0x3FB0] =	sst s0;
	s0 =	simm.s32 @!p2 $0x0  }
0x16: {  	s3 =	sld [smem:$0x3FDB];
	s0 =	simm.s32 @p2 $0x1  }
0x17: {  	s4 =	simm.s32 $0x1BF5;
	[smem:$0x3FB2] =	sst s0  }
0x18: {  	s0 =	sld [smem:$0x3F95];
	_ =	swait.ge [sflag:s4], $0x0  }
0x19: {  	s7 =	sld [smem:$0x3F96]  }
0x1a: {  	s8 =	sadd.s32 $0xFFFFE003, lr  }
0x1b: {  	s9 =	sadd.s32 $0xFFFFFEF7, lr;
	s5 =	simm.s32 $0xFFFFFFFF;
	p2 =	slt.u32 s8, $0xFFFFF086  }
0x1c: {  	p1 =	slt.u32 s9, $0xF7A;
	s5 =	simm.s32 @!p2 $0x0  }
0x1d: {  	s5 =	simm.s32 @p1 $0x1;
	p0 =	seq.s32 s7, s2  }
0x1e: {  	s7 =	smul.u32 @!p0 $0xF7A, s2;
	p2 =	seq.s32 @!p0 s5, $0x0  }
0x1f: {  	s9 =	smul.u32 $0xF7A, s1;
	s8 =	simm.s32 @!p0 $0x1BF5;
	p2 =	por !p2, p0  }
0x20: {  	[sflag:s8] =	ssyncset.s32 @!p0 $0xFFFFF086;
	s6 =	sadd.s32 @!p0 s3, s7;
	s7 =	simm.s32 @!p0 $0x108  }
0x21: {  	s3 =	sadd.s32 s3, s9;
	s6 =	sadd.s32 @!p0 $0x88, s6;
	s7 =	simm.s32 @p2 $0x1082  }
0x22: {  	[simem:s7], [sflag:s8] =	dma.local @!p0 [hbm:s6], $0xF7A  }
0x23: {  	s9 =	sor.u32 $0xD0000000, s2;
	s6 =	simm.s32 $0x108;
	_ =	swait.ge @!p0 [sflag:s8], $0x0  }
0x24: {  	s3 =	sadd.s32 $0x88, s3;
	s6 =	simm.s32 @!p1 $0x1082;
	[sflag:s4] =	ssyncset.s32 $0xFFFFF086  }
0x25: {  	[simem:s6], [sflag:s4] =	dma.local [hbm:s3], $0xF7A  }
0x26: {  	[smem:$0x3F96] =	sst s1;
	(tag) =	ssettag s2;
	_ =	strace s9  }
0x27: {  	s1 =	sld [smem:$0x3FA6]  }
0x28: {  	s2 =	sld [smem:$0x3FA7]  }
0x29: {  	s4 =	sld [smem:$0x3FA9]  }
0x2a: {  	p0 =	seq.s32 s5, $0x0;
	s5 =	sld [smem:$0x3FAA]  }
0x2b: {  	s6 =	sld [smem:$0x3FAB]  }
0x2c: {  	s7 =	sld [smem:$0x3FAC]  }
0x2d: {  	s3 =	simm.s32 $0x108;
	s8 =	sld [smem:$0x3FAD]  }
0x2e: {  	s3 =	simm.s32 @!p0 $0x1082;
	s9 =	sld [smem:$0x3FAE]  }
0x2f: {  	lr =	sadd.s32 s0, s3;
	s0 =	sld [smem:$0x3FA5]  }
0x30: {  	s3 =	sld [smem:$0x3FA8]  }
0x31: {  	[smem:$0x3FB1] =	sst s10  }
0x32: {  	s10 =	sld [smem:$0x3FAF];
	_ =	sdelay $0x3  }
0x33: {  	p0 =	seq.s32 s10, $0x1;
	s10 =	sld [smem:$0x3FB1];
	_ =	sdelay $0x3  }
0x34: {  	[smem:$0x3FB1] =	sst s10  }
0x35: {  	s10 =	sld [smem:$0x3FB0];
	_ =	sdelay $0x3  }
0x36: {  	p1 =	seq.s32 s10, $0x1;
	s10 =	sld [smem:$0x3FB1];
	_ =	sdelay $0x3  }
0x37: {  	[smem:$0x3FB1] =	sst s10  }
0x38: {  	s10 =	sld [smem:$0x3FB2]  }
0x39: {  	_ = 	snop;
	(pc) =	sbr.ind lr, $3  }
0x3a: {  	_ = 	snop  }
0x3b: {  	_ = 	snop  }
0x3c: {  	p2 =	seq.s32 s10, $0x1;
	s10 =	sld [smem:$0x3FB1]  }
0x3d: {  	_ =	shalt  }
0x3e: {  	_ =	shalt  }
0x3f: {  	_ =	shalt  }
0x40: {  	_ =	shalt  }
0x41: {  	_ =	shalt  }
0x42: {  	_ =	shalt  }
0x43: {  	_ =	shalt  }
0x44: {  	_ =	shalt  }
0x45: {  	_ =	shalt  }
0x46: {  	_ =	shalt  }
0x47: {  	_ =	shalt  }
0x48: {  	_ =	shalt  }
0x49: {  	_ =	shalt  }
0x4a: {  	_ =	shalt  }
0x4b: {  	_ =	shalt  }
0x4c: {  	_ =	shalt  }
0x4d: {  	_ =	shalt  }
0x4e: {  	_ =	shalt  }
0x4f: {  	_ =	shalt  }
0x50: {  	_ =	shalt  }
0x51: {  	_ =	shalt  }
0x52: {  	_ =	shalt  }
0x53: {  	_ =	shalt  }
0x54: {  	_ =	shalt  }
0x55: {  	_ =	shalt  }
0x56: {  	_ =	shalt  }
0x57: {  	_ =	shalt  }
0x58: {  	_ =	shalt  }
0x59: {  	_ =	shalt  }
0x5a: {  	_ =	shalt  }
0x5b: {  	_ =	shalt  }
0x5c: {  	_ =	shalt  }
0x5d: {  	_ =	shalt  }
0x5e: {  	_ =	shalt  }
0x5f: {  	_ =	shalt  }
0x60: {  	_ =	shalt  }
0x61: {  	_ =	shalt  }
0x62: {  	_ =	shalt  }
0x63: {  	_ =	shalt  }
0x64: {  	_ =	shalt  }
0x65: {  	_ =	shalt  }
0x66: {  	_ =	shalt  }
0x67: {  	_ =	shalt  }
0x68: {  	_ =	shalt  }
0x69: {  	_ =	shalt  }
0x6a: {  	_ =	shalt  }
0x6b: {  	_ =	shalt  }
0x6c: {  	_ =	shalt  }
0x6d: {  	_ =	shalt  }
0x6e: {  	_ =	shalt  }
0x6f: {  	_ =	shalt  }
0x70: {  	_ =	shalt  }
0x71: {  	_ =	shalt  }
0x72: {  	_ =	shalt  }
0x73: {  	_ =	shalt  }
0x74: {  	_ =	shalt  }
0x75: {  	_ =	shalt  }
0x76: {  	_ =	shalt  }
0x77: {  	_ =	shalt  }
0x78: {  	_ =	shalt  }
0x79: {  	_ =	shalt  }
0x7a: {  	_ =	shalt  }
0x7b: {  	_ =	shalt  }
0x7c: {  	_ =	shalt  }
0x7d: {  	_ =	shalt  }
0x7e: {  	_ =	shalt  }
0x7f: {  	_ =	shalt  }
0x80: {  	_ =	shalt  }
0x81: {  	_ =	shalt  }
0x82: {  	_ =	shalt  }
0x83: {  	_ =	shalt  }
0x84: {  	_ =	shalt  }
0x85: {  	_ =	shalt  }
0x86: {  	_ =	shalt  }
0x87: {  	_ =	shalt  }
.Lfunc_end0:
.L_simem_size_0:
called_computation.1_lowered:
.L_overlay_start_0:
0x88: {  	s2 =	sld [smem:$0x3FD9]  }
0x89: {  	s3 =	sld [smem:$0x3FFE];
	_ =	sdelay $0x1  }
0x8a: {  	s1 =	srdreg.scid  }
0x8b: {  	s0 =	sand.u32 $0x1, s1  }
0x8c: {  	s17 =	sshll.u32 s0, $0xA;
	s2 =	sadd.s32 s3, s2  }
0x8d: {  	s2 =	sadd.s32 s2, s17  }
0x8e: {  	[smem:$0x3FBD] =	sst s2  }
0x8f: {  	_ = 	snop  }
0x90: {  	s2 =	sld [smem:$0x3FD0];
	(tm) =	ssettm $0x1  }
0x91: {  	s18 =	sld [smem:$0x3FFB];
	_ =	sdelay $0x3  }
0x92: {  	_ =	strace s18  }
0x93: {  	s3 =	sld [smem:$0x3FFC];
	_ =	sdelay $0x3  }
0x94: {  	_ =	strace s3  }
0x95: {  	s3 =	sld [smem:$0x3FFD];
	_ =	sdelay $0x3  }
0x96: {  	_ =	strace s3  }
0x97: {  	_ =	strace $0x8FFFFFFF  }
0x98: {  	s19 =	sld [smem:$0x3FDB];
	_ =	sdelay $0x1  }
0x99: {  	s4 =	simm.s32 $_scs_section_size  }
0x9a: {  	s5 =	simm.s32 $_size__tile_overlayer_lowered;
	s6 =	simm.s32 $_tile_overlayer_lowered  }
0x9b: {  	s22 =	simm.s32 $0x1BFF;
	s21 =	sshll.u32 s6, $0x1;
	s3 =	sadd.s32 s4, s19  }
0x9c: {  	s7 =	simm.s32 $0x0;
	s20 =	sshll.u32 s5, $0x1;
	s5 =	sadd.s32 s21, s3  }
0x9d: {  	[timem:s7], [sflag:s22] =	dma.local [hbm:s5], s20  }
0x9e: {  	_ =	swait.ge [sflag:s22], s20  }
0x9f: {  	s4 =	ssub.s32 $0x0, s20;
	[sflag:s22] =	ssyncset.done $0x0  }
0xa0: {  	[sflag:s22] =	ssyncadd.s32 s4;
	_ =	sdelay $0x1  }
0xa1: {  	s23 =	simm.s32 $0x1B8B  }
0xa2: {  	_ =	swait.ge [sflag:s23], $0x1  }
0xa3: {  	[sflag:s23] =	ssyncset.done $0x0  }
0xa4: {  	s25 =	simm.s32 $0x1B8E;
	s24 =	sld [smem:$0x3FFE];
	[sflag:s23] =	ssyncadd.s32 $0xFFFFFFFF  }
0xa5: {  	s26 =	simm.s32 $execute0_lowered;
	[smem:$0x3FD2] =	sst s25  }
0xa6: {  	s5 =	sshll.u32 s26, $0x1;
	_ =	strace $0x80000049;
	[dreg:$0x1] =	wrdreg $0xFFFFFFFF  }
0xa7: {  	s28 =	simm.s32 $_size_execute0_lowered;
	s3 =	sadd.s32 s3, s5;
	[dreg:$0x0] =	wrdreg $0x0  }
0xa8: {  	s5 =	sshll.u32 s28, $0x1;
	[dreg:$0x2] =	wrdreg s3  }
0xa9: {  	[dreg:$0x3] =	wrdreg s5  }
0xaa: {  	[dreg:$0x4] =	wrdreg $0xC0  }
0xab: {  	_ =	task [dreg:s7], $0x5FFFF  }
0xac: {  	[dreg:$0x1] =	wrdreg $0xFFFFFFFF  }
0xad: {  	[dreg:$0x0] =	wrdreg $0x60  }
0xae: {  	[dreg:$0x2] =	wrdreg s2  }
0xaf: {  	[dreg:$0x3] =	wrdreg s24  }
0xb0: {  	[dreg:$0x4] =	wrdreg $0xA8000  }
0xb1: {  	[dreg:$0x5] =	wrdreg $0x9  }
0xb2: {  	_ =	task.clear_ibuf [dreg:s7], $0x6FFFF;
	_ =	strace $0x90000049  }
0xb3: {  	s29 =	simm.s32 $0x9;
	_ =	strace $0x8000004B  }
0xb4: {  	_ =	swait.ge [sflag:s29], $0x1  }
0xb5: {  	[sflag:s29] =	ssyncadd.s32 $0xFFFFFFFF  }
0xb6: {  	_ =	strace $0x9000004B  }
0xb7: {  	_ =	sfence  }
0xb8: {  	s30 =	sld [smem:$0x0];
	_ =	sdelay $0x2  }
0xb9: {  	s31 =	sshll.u32 s1, $0xD;
	s1 =	sshrl.u32 s1, $0x2  }
0xba: {  	s3 =	sand.u32 $0x4000, s31;
	s1 =	sadd.s32 s1, s30  }
0xbb: {  	s0 =	sor.u32 s3, s0;
	s1 =	sshll.u32 s1, $0x11  }
0xbc: {  	s0 =	sor.u32 s1, s0  }
0xbd: {  	s0 =	sadd.s32 $0x8F2B, s0  }
0xbe: {  	[sflag:s0] =	ssyncadd.remote.s32 $0x1  }
0xbf: {  	_ =	sfence.sel $0xFFFF  }
0xc0: {  	[dreg:$0x0] =	wrdreg $0xFFFFFFFF;
	(pc) =	sbr.abs _section_cstart, $3  }
0xc1: {  	[dreg:$0x1] =	wrdreg $0xFFFFFFFF  }
0xc2: {  	_ =	task.clear_ibuf [dreg:s7], $0x2FFFF;
	_ =	strace $0x9FFFFFFF  }
0xc3: {  	(tm) =	ssettm $0x7FFFFFFF  }
tec
execute0_lowered:
.L_overlay_start_1:
0x0: {  	(tag) =	ssettag $0x1  }
0x1: {  	s5 =	rddreg [dreg:$0x0]  }
0x2: {  	s3 =	rddreg [dreg:$0x1];
	s0 =	srdreg.scid  }
0x3: {  	s13 =	stileid.u32;
	s1 =	rddreg [dreg:$0x2]  }
0x4: {  	s2 =	simm.s32 $0x0;
	s18 =	simm.s32 $0x1;
	s19 =	simm.s32 $0x28  }
0x5: {  	s20 =	simm.s32 $0x2;
	s21 =	simm.s32 $0x80;
	s6 =	sand.u32 $0x1, s0  }
0x6: {  	s4 =	sshll.u32 s13, $0x1;
	s0 =	rddreg [dreg:$0x3];
	s10 =	smul.u32 $0x4E000, s13  }
0x7: {  	[smem:$0x7FF] =	sst s2;
	s8 =	sadd.s32 $0xF04600, s3;
	s12 =	smul.u32 $0x13800, s13  }
0x8: {  	s11 =	sadd.s32 $0xA22600, s3;
	s15 =	sadd.s32 $0x138000, s1;
	s28 =	smul.u32 $0x4E200, s13  }
0x9: {  	p0 =	sne.s32 s13, $0x0;
	s13 =	sshll.u32 s13, $0x6;
	s7 =	sor.u32 s6, s4  }
0xa: {  	_ =	strace $0x8000004A;
	s9 =	ssub.s32 $0x2, s6;
	s25 =	smul.u32 $0x138800, s6  }
0xb: {  	s17 =	smul.u32 $0x27100, s6;
	s13 =	sor.u32 $0x1C05, s13;
	s15 =	sshrl.u32 @!p0 s15, $0x3  }
0xc: {  	s4 =	sshll.u32 s7, $0xC;
	s22 =	sshrl.u32 s9, $0x1;
	s23 =	sshrl.u32 s10, $0x2  }
0xd: {  	s24 =	sshrl.u32 s12, $0x3;
	s16 =	smul.u32 $0x27100, s7;
	s30 =	sadd.s32 s28, s8  }
0xe: {  	s4 =	sadd.s32 s4, s3;
	s9 =	ssub.s32 s9, s22;
	s14 =	sadd.s32 s23, s1  }
0xf: {  	s26 =	sadd.s32 s12, s25;
	s10 =	sshrl.u32 s25, $0x3;
	s31 =	sadd.s32 s17, s30  }
0x10: {  	s12 =	simm.s32 $0x5;
	s17 =	simm.s32 $0x9400;
	s22 =	simm.s32 $0x3  }
0x11: {  	s23 =	simm.s32 $0x4;
	s3 =	sadd.s32 $0xA02600, s4;
	s4 =	sadd.s32 s5, s24  }
0x12: {  	s5 =	sadd.s32 $0x27000, s5;
	s7 =	sshrl.u32 s26, $0x3;
	s29 =	sadd.s32 s11, s10  }
0x13: {  	s8 =	sadd.s32 s8, s16;
	s9 =	smax.u32 s9, $0x1;
	s14 =	sshrl.u32 s14, $0x3  }
0x14: {  	s16 =	simm.s32 $0x8000;
	s24 =	simm.s32 $0x0;
	s6 =	sadd.s32 s11, s7  }
0x15: {  	s7 =	sadd.s32 $0x27000, s29;
	s10 =	sadd.s32 $0x280, s8;
	s11 =	sadd.s32 $0x780, s31  }
.LBB2_1:
0x16: {  	[tilespmem:s2], [sflag:$0x5] =	stream.linear.gather [hbm4b:s3+s2], $0x7D00, $0x38;
	[tilespmem:$0x1E080] =	vst v63  }
0x17: {  	_ =	swait.ge [sflag:s12], $0x7D00  }
0x18: {  	[sflag:s12] =	ssyncset.done $0x0  }
0x19: {  	[sflag:s12] =	ssyncadd.s32 $0xFFFF8300  }
0x1a: {  	[spmem:s14], [sflag:s13] =	dma.local [hbm:s4], $0x2700  }
0x1b: {  	_ =	swait.ge [sflag:s12], $0x2700  }
0x1c: {  	[sflag:s12] =	ssyncset.done $0x0  }
0x1d: {  	s25 =	simm.s32 @!p0 $0x5;
	[sflag:s12] =	ssyncadd.s32 $0xFFFFD900  }
0x1e: {  	[spmem:s15], [sflag:s13] =	dma.local @!p0 [hbm:s5], $0x100  }
0x1f: {  	_ =	swait.ge @!p0 [sflag:s25], $0x100  }
0x20: {  	[sflag:s25] =	ssyncset.done @!p0 $0x0  }
0x21: {  	[sflag:s25] =	ssyncadd.s32 @!p0 $0xFFFFFF00  }
0x22: {  	[bflag:$0x0] =	sbarrier.arrive $0xFFFF  }
0x23: {  	[tilespmem:s16], [sflag:$0x1] =	stream.linear.gather [hbm4b:s8+s2], $0x1400, $0x38;
	[tilespmem:$0x1E080] =	vst v63  }
0x24: {  	_ = 	snop  }
0x25: {  	[tilespmem:s17], [sflag:$0x2] =	stream.linear.gather [hbm4b:s10+s2], $0x1400, $0x38;
	[tilespmem:$0x1E080] =	vst v63  }
0x26: {  	_ =	swait.ge [sflag:s18], $0x1400  }
0x27: {  	[sflag:s18] =	ssyncset.done $0x0  }
0x28: {  	[sflag:s18] =	ssyncadd.s32 $0xFFFFEC00  }
0x29: {  	[spmem:s1] =	stream.indirect.scatter.add.f32 [tilespmem:s16], [sflag:$0x3], $0x80, s2, s19, $0xb8;
	[tilespmem:$0x1E080] =	vst v63  }
0x2a: {  	_ =	swait.ge [sflag:s20], $0x1400  }
0x2b: {  	[sflag:s20] =	ssyncset.done $0x0  }
0x2c: {  	[sflag:s20] =	ssyncadd.s32 $0xFFFFEC00  }
0x2d: {  	[spmem:s1] =	stream.indirect.scatter.add.f32 [tilespmem:s17], [sflag:$0x4], $0x80, s21, s19, $0xb8;
	[tilespmem:$0x1E080] =	vst v63  }
0x2e: {  	_ =	swait.ge [sflag:s22], $0x1400  }
0x2f: {  	[sflag:s22] =	ssyncset.done $0x0  }
0x30: {  	s30 =	sadd.s32 $0xFFFFFD80, s11;
	[sflag:s22] =	ssyncadd.s32 $0xFFFFEC00  }
0x31: {  	[tilespmem:s16], [sflag:$0x1] =	stream.linear.gather [hbm4b:s30+s2], $0x1400, $0x38;
	[tilespmem:$0x1E080] =	vst v63  }
0x32: {  	_ =	swait.ge [sflag:s23], $0x1400  }
0x33: {  	[sflag:s23] =	ssyncset.done $0x0  }
0x34: {  	[sflag:s23] =	ssyncadd.s32 $0xFFFFEC00  }
0x35: {  	[tilespmem:s17], [sflag:$0x2] =	stream.linear.gather [hbm4b:s11+s2], $0x1400, $0x38;
	[tilespmem:$0x1E080] =	vst v63  }
0x36: {  	_ =	swait.ge [sflag:s18], $0x1400  }
0x37: {  	[sflag:s18] =	ssyncset.done $0x0  }
0x38: {  	s31 =	simm.s32 $0x100;
	[sflag:s18] =	ssyncadd.s32 $0xFFFFEC00  }
0x39: {  	[spmem:s1] =	stream.indirect.scatter.add.f32 [tilespmem:s16], [sflag:$0x3], $0x80, s31, s19, $0xb8;
	[tilespmem:$0x1E080] =	vst v63  }
0x3a: {  	_ =	swait.ge [sflag:s20], $0x1400  }
0x3b: {  	s28 =	simm.s32 $0x180;
	[sflag:s20] =	ssyncset.done $0x0  }
0x3c: {  	s26 =	sadd.s32 $0x500, s11;
	s25 =	simm.s32 $0x400;
	[sflag:s20] =	ssyncadd.s32 $0xFFFFEC00  }
.LBB2_2:
0x3d: {  	[spmem:s1] =	stream.indirect.scatter.add.f32 [tilespmem:s17], [sflag:$0x4], $0x80, s28, s19, $0xb8;
	[tilespmem:$0x1E080] =	vst v63  }
0x3e: {  	s28 =	smov.u32 s25  }
0x3f: {  	p1 =	sne.s32 s25, $0x1EC00;
	s25 =	sadd.s32 $0x400, s25;
	_ =	swait.ge [sflag:s22], $0x1400  }
0x40: {  	[sflag:s22] =	ssyncset.done $0x0  }
0x41: {  	s29 =	sadd.s32 $0xFFFFFD80, s26;
	[sflag:s22] =	ssyncadd.s32 $0xFFFFEC00  }
0x42: {  	[tilespmem:s16], [sflag:$0x1] =	stream.linear.gather [hbm4b:s29+s2], $0x1400, $0x38;
	[tilespmem:$0x1E080] =	vst v63  }
0x43: {  	_ =	swait.ge [sflag:s23], $0x1400  }
0x44: {  	[sflag:s23] =	ssyncset.done $0x0  }
0x45: {  	[sflag:s23] =	ssyncadd.s32 $0xFFFFEC00  }
0x46: {  	[tilespmem:s17], [sflag:$0x2] =	stream.linear.gather [hbm4b:s26+s2], $0x1400, $0x38;
	[tilespmem:$0x1E080] =	vst v63  }
0x47: {  	_ =	swait.ge [sflag:s18], $0x1400  }
0x48: {  	s28 =	sshra.s32 s28, $0x2;
	[sflag:s18] =	ssyncset.done $0x0  }
.Ltmp0:
0x49: {  	s29 =	sadd.s32 $0x100, s28;
	[sflag:s18] =	ssyncadd.s32 $0xFFFFEC00;
	(pc) =	sbr.rel @p1 .LBB2_2-.Ltmp0, $4  }
0x4a: {  	[spmem:s1] =	stream.indirect.scatter.add.f32 [tilespmem:s16], [sflag:$0x3], $0x80, s29, s19, $0xb8;
	[tilespmem:$0x1E080] =	vst v63  }
0x4b: {  	_ =	swait.ge [sflag:s20], $0x1400  }
0x4c: {  	[sflag:s20] =	ssyncset.done $0x0  }
0x4d: {  	s28 =	sadd.s32 $0x180, s28;
	s26 =	sadd.s32 $0x500, s26;
	[sflag:s20] =	ssyncadd.s32 $0xFFFFEC00  }
0x4e: {  	[spmem:s1] =	stream.indirect.scatter.add.f32 [tilespmem:s17], [sflag:$0x4], $0x80, s28, s19, $0xb8;
	[tilespmem:$0x1E080] =	vst v63  }
0x4f: {  	_ =	swait.ge [sflag:s22], $0x1400  }
0x50: {  	[sflag:s22] =	ssyncset.done $0x0  }
0x51: {  	[sflag:s22] =	ssyncadd.s32 $0xFFFFEC00  }
0x52: {  	_ =	swait.ge [sflag:s23], $0x1400  }
0x53: {  	[sflag:s23] =	ssyncset.done $0x0  }
0x54: {  	[sflag:s23] =	ssyncadd.s32 $0xFFFFEC00  }
0x55: {  	[bflag:$0x0] =	sbarrier.arrive $0xFFFF  }
0x56: {  	[hbm:s6], [sflag:s13] =	dma.local [spmem:s14], $0x2700  }
0x57: {  	s24 =	sadd.s32 $0x1, s24;
	_ =	swait.ge [sflag:s12], $0x2700  }
0x58: {  	p1 =	sne.s32 s24, s9;
	[sflag:s12] =	ssyncset.done $0x0  }
.Ltmp1:
0x59: {  	s25 =	simm.s32 @!p0 $0x5;
	[sflag:s12] =	ssyncadd.s32 $0xFFFFD900;
	(pc) =	sbr.rel @p1 .LBB2_1-.Ltmp1, $4  }
0x5a: {  	[hbm:s7], [sflag:s13] =	dma.local @!p0 [spmem:s15], $0x100  }
0x5b: {  	_ =	swait.ge @!p0 [sflag:s25], $0x100  }
0x5c: {  	[sflag:s25] =	ssyncset.done @!p0 $0x0  }
0x5d: {  	[sflag:s25] =	ssyncadd.s32 @!p0 $0xFFFFFF00  }
0x5e: {  	_ =	sfence.sel $0x180000  }
0x5f: {  	[bflag:$0x0] =	sbarrier.arrive $0xFFFF  }
0x60: {  	_ =	strace $0x9000004A  }
0x61: {  	s0 =	sadd.s32 @!p0 $0x100000, s0;
	[bflag:$0x2] =	sbarrier.arrive $0xFFFF  }
0x62: {  	[sflag:s0] =	ssyncadd.tile.s32 @!p0 $0x1;
	_ =	shalt  }
.Lfunc_end2:
_tile_overlayer_lowered:
.L_overlay_start_2:
0x63: {  	(tag) =	ssettag $0x2  }
0x64: {  	s0 =	rddreg [dreg:$0x0];
	s2 =	stileid.u32  }
0x65: {  	s1 =	rddreg [dreg:$0x1];
	p0 =	sne.s32 s2, $0x0  }
0x66: {  	s3 =	rddreg [dreg:$0x2];
	[bflag:$0x3] =	sbarrier.arrive $0xFFFF;
	s2 =	simm.s32 @!p0 $0x1C05  }
0x67: {  	[timem:s3], [sflag:s2] =	dma.local @!p0 [hbm:s0], s1  }
0x68: {  	s0 =	simm.s32 @!p0 $0x5  }
0x69: {  	_ =	swait.ge @!p0 [sflag:s0], s1  }
0x6a: {  	s1 =	ssub.s32 @!p0 $0x0, s1;
	[sflag:s0] =	ssyncset.done @!p0 $0x0  }
0x6b: {  	[sflag:s0] =	ssyncadd.s32 @!p0 s1  }
0x6c: {  	[bflag:$0x3] =	sbarrier.arrive $0xFFFF  }
0x6d: {  	_ =	shalt  }

// kernel: kernel.7.cloned.1.call-start
scs
__scs_entry_jumppad:
0x0: {  	(pc) =	sbr.rel $0x88, $3  }
0x1: {  	(tag) =	ssettag $0x0;
	lr =	simm.s32 $0x1  }
0x2: {  	[smem:$0x3F96] =	sst lr;
	_ =	strace $0xD0000000  }
0x3: {  	_ = 	snop  }
0x4: {  	_ = 	snop  }
0x5: {  	_ = 	snop  }
0x6: {  	_ = 	snop  }
0x7: {  	_ = 	snop  }
__scs_overlays_trampoline_lowered:
0x8: {  	[smem:$0x3FA5] =	sst s0  }
0x9: {  	[smem:$0x3FA6] =	sst s1  }
0xa: {  	[smem:$0x3FA7] =	sst s2  }
0xb: {  	[smem:$0x3FA8] =	sst s3  }
0xc: {  	[smem:$0x3FA9] =	sst s4  }
0xd: {  	[smem:$0x3FAA] =	sst s5  }
0xe: {  	[smem:$0x3FAB] =	sst s6  }
0xf: {  	[smem:$0x3FAC] =	sst s7  }
0x10: {  	[smem:$0x3FAD] =	sst s8  }
0x11: {  	[smem:$0x3FAE] =	sst s9;
	s0 =	simm.s32 @!p0 $0x0  }
0x12: {  	s1 =	sld [smem:$0x3F94];
	s0 =	simm.s32 @p0 $0x1  }
0x13: {  	[smem:$0x3FAF] =	sst s0;
	s0 =	simm.s32 @!p1 $0x0  }
0x14: {  	s2 =	sld [smem:$0x3F93];
	s0 =	simm.s32 @p1 $0x1  }
0x15: {  	[smem:$0x3FB0] =	sst s0;
	s0 =	simm.s32 @!p2 $0x0  }
0x16: {  	s3 =	sld [smem:$0x3FDB];
	s0 =	simm.s32 @p2 $0x1  }
0x17: {  	s4 =	simm.s32 $0x1BF5;
	[smem:$0x3FB2] =	sst s0  }
0x18: {  	s0 =	sld [smem:$0x3F95];
	_ =	swait.ge [sflag:s4], $0x0  }
0x19: {  	s7 =	sld [smem:$0x3F96]  }
0x1a: {  	s8 =	sadd.s32 $0xFFFFE003, lr  }
0x1b: {  	s9 =	sadd.s32 $0xFFFFFEF7, lr;
	s5 =	simm.s32 $0xFFFFFFFF;
	p2 =	slt.u32 s8, $0xFFFFF086  }
0x1c: {  	p1 =	slt.u32 s9, $0xF7A;
	s5 =	simm.s32 @!p2 $0x0  }
0x1d: {  	s5 =	simm.s32 @p1 $0x1;
	p0 =	seq.s32 s7, s2  }
0x1e: {  	s7 =	smul.u32 @!p0 $0xF7A, s2;
	p2 =	seq.s32 @!p0 s5, $0x0  }
0x1f: {  	s9 =	smul.u32 $0xF7A, s1;
	s8 =	simm.s32 @!p0 $0x1BF5;
	p2 =	por !p2, p0  }
0x20: {  	[sflag:s8] =	ssyncset.s32 @!p0 $0xFFFFF086;
	s6 =	sadd.s32 @!p0 s3, s7;
	s7 =	simm.s32 @!p0 $0x108  }
0x21: {  	s3 =	sadd.s32 s3, s9;
	s6 =	sadd.s32 @!p0 $0x88, s6;
	s7 =	simm.s32 @p2 $0x1082  }
0x22: {  	[simem:s7], [sflag:s8] =	dma.local @!p0 [hbm:s6], $0xF7A  }
0x23: {  	s9 =	sor.u32 $0xD0000000, s2;
	s6 =	simm.s32 $0x108;
	_ =	swait.ge @!p0 [sflag:s8], $0x0  }
0x24: {  	s3 =	sadd.s32 $0x88, s3;
	s6 =	simm.s32 @!p1 $0x1082;
	[sflag:s4] =	ssyncset.s32 $0xFFFFF086  }
0x25: {  	[simem:s6], [sflag:s4] =	dma.local [hbm:s3], $0xF7A  }
0x26: {  	[smem:$0x3F96] =	sst s1;
	(tag) =	ssettag s2;
	_ =	strace s9  }
0x27: {  	s1 =	sld [smem:$0x3FA6]  }
0x28: {  	s2 =	sld [smem:$0x3FA7]  }
0x29: {  	s4 =	sld [smem:$0x3FA9]  }
0x2a: {  	p0 =	seq.s32 s5, $0x0;
	s5 =	sld [smem:$0x3FAA]  }
0x2b: {  	s6 =	sld [smem:$0x3FAB]  }
0x2c: {  	s7 =	sld [smem:$0x3FAC]  }
0x2d: {  	s3 =	simm.s32 $0x108;
	s8 =	sld [smem:$0x3FAD]  }
0x2e: {  	s3 =	simm.s32 @!p0 $0x1082;
	s9 =	sld [smem:$0x3FAE]  }
0x2f: {  	lr =	sadd.s32 s0, s3;
	s0 =	sld [smem:$0x3FA5]  }
0x30: {  	s3 =	sld [smem:$0x3FA8]  }
0x31: {  	[smem:$0x3FB1] =	sst s10  }
0x32: {  	s10 =	sld [smem:$0x3FAF];
	_ =	sdelay $0x3  }
0x33: {  	p0 =	seq.s32 s10, $0x1;
	s10 =	sld [smem:$0x3FB1];
	_ =	sdelay $0x3  }
0x34: {  	[smem:$0x3FB1] =	sst s10  }
0x35: {  	s10 =	sld [smem:$0x3FB0];
	_ =	sdelay $0x3  }
0x36: {  	p1 =	seq.s32 s10, $0x1;
	s10 =	sld [smem:$0x3FB1];
	_ =	sdelay $0x3  }
0x37: {  	[smem:$0x3FB1] =	sst s10  }
0x38: {  	s10 =	sld [smem:$0x3FB2]  }
0x39: {  	_ = 	snop;
	(pc) =	sbr.ind lr, $3  }
0x3a: {  	_ = 	snop  }
0x3b: {  	_ = 	snop  }
0x3c: {  	p2 =	seq.s32 s10, $0x1;
	s10 =	sld [smem:$0x3FB1]  }
0x3d: {  	_ =	shalt  }
0x3e: {  	_ =	shalt  }
0x3f: {  	_ =	shalt  }
0x40: {  	_ =	shalt  }
0x41: {  	_ =	shalt  }
0x42: {  	_ =	shalt  }
0x43: {  	_ =	shalt  }
0x44: {  	_ =	shalt  }
0x45: {  	_ =	shalt  }
0x46: {  	_ =	shalt  }
0x47: {  	_ =	shalt  }
0x48: {  	_ =	shalt  }
0x49: {  	_ =	shalt  }
0x4a: {  	_ =	shalt  }
0x4b: {  	_ =	shalt  }
0x4c: {  	_ =	shalt  }
0x4d: {  	_ =	shalt  }
0x4e: {  	_ =	shalt  }
0x4f: {  	_ =	shalt  }
0x50: {  	_ =	shalt  }
0x51: {  	_ =	shalt  }
0x52: {  	_ =	shalt  }
0x53: {  	_ =	shalt  }
0x54: {  	_ =	shalt  }
0x55: {  	_ =	shalt  }
0x56: {  	_ =	shalt  }
0x57: {  	_ =	shalt  }
0x58: {  	_ =	shalt  }
0x59: {  	_ =	shalt  }
0x5a: {  	_ =	shalt  }
0x5b: {  	_ =	shalt  }
0x5c: {  	_ =	shalt  }
0x5d: {  	_ =	shalt  }
0x5e: {  	_ =	shalt  }
0x5f: {  	_ =	shalt  }
0x60: {  	_ =	shalt  }
0x61: {  	_ =	shalt  }
0x62: {  	_ =	shalt  }
0x63: {  	_ =	shalt  }
0x64: {  	_ =	shalt  }
0x65: {  	_ =	shalt  }
0x66: {  	_ =	shalt  }
0x67: {  	_ =	shalt  }
0x68: {  	_ =	shalt  }
0x69: {  	_ =	shalt  }
0x6a: {  	_ =	shalt  }
0x6b: {  	_ =	shalt  }
0x6c: {  	_ =	shalt  }
0x6d: {  	_ =	shalt  }
0x6e: {  	_ =	shalt  }
0x6f: {  	_ =	shalt  }
0x70: {  	_ =	shalt  }
0x71: {  	_ =	shalt  }
0x72: {  	_ =	shalt  }
0x73: {  	_ =	shalt  }
0x74: {  	_ =	shalt  }
0x75: {  	_ =	shalt  }
0x76: {  	_ =	shalt  }
0x77: {  	_ =	shalt  }
0x78: {  	_ =	shalt  }
0x79: {  	_ =	shalt  }
0x7a: {  	_ =	shalt  }
0x7b: {  	_ =	shalt  }
0x7c: {  	_ =	shalt  }
0x7d: {  	_ =	shalt  }
0x7e: {  	_ =	shalt  }
0x7f: {  	_ =	shalt  }
0x80: {  	_ =	shalt  }
0x81: {  	_ =	shalt  }
0x82: {  	_ =	shalt  }
0x83: {  	_ =	shalt  }
0x84: {  	_ =	shalt  }
0x85: {  	_ =	shalt  }
0x86: {  	_ =	shalt  }
0x87: {  	_ =	shalt  }
.Lfunc_end0:
.L_simem_size_0:
called_computation_lowered:
.L_overlay_start_0:
0x88: {  	s2 =	sld [smem:$0x3FD9]  }
0x89: {  	s3 =	sld [smem:$0x3FFE];
	_ =	sdelay $0x1  }
0x8a: {  	s1 =	srdreg.scid  }
0x8b: {  	s0 =	sand.u32 $0x1, s1  }
0x8c: {  	s17 =	sshll.u32 s0, $0xA;
	s2 =	sadd.s32 s3, s2  }
0x8d: {  	s2 =	sadd.s32 s2, s17  }
0x8e: {  	[smem:$0x3FBD] =	sst s2  }
0x8f: {  	_ = 	snop  }
0x90: {  	s2 =	sld [smem:$0x3FD0];
	(tm) =	ssettm $0x1  }
0x91: {  	s18 =	sld [smem:$0x3FFB];
	_ =	sdelay $0x3  }
0x92: {  	_ =	strace s18  }
0x93: {  	s3 =	sld [smem:$0x3FFC];
	_ =	sdelay $0x3  }
0x94: {  	_ =	strace s3  }
0x95: {  	s3 =	sld [smem:$0x3FFD];
	_ =	sdelay $0x3  }
0x96: {  	_ =	strace s3  }
0x97: {  	_ =	strace $0x8FFFFFFF  }
0x98: {  	s19 =	sld [smem:$0x3FDB];
	_ =	sdelay $0x1  }
0x99: {  	s4 =	simm.s32 $_scs_section_size  }
0x9a: {  	s5 =	simm.s32 $_size__tile_overlayer_lowered;
	s6 =	simm.s32 $_tile_overlayer_lowered  }
0x9b: {  	s22 =	simm.s32 $0x1BFF;
	s21 =	sshll.u32 s6, $0x1;
	s3 =	sadd.s32 s4, s19  }
0x9c: {  	s7 =	simm.s32 $0x0;
	s20 =	sshll.u32 s5, $0x1;
	s5 =	sadd.s32 s21, s3  }
0x9d: {  	[timem:s7], [sflag:s22] =	dma.local [hbm:s5], s20  }
0x9e: {  	_ =	swait.ge [sflag:s22], s20  }
0x9f: {  	s4 =	ssub.s32 $0x0, s20;
	[sflag:s22] =	ssyncset.done $0x0  }
0xa0: {  	[sflag:s22] =	ssyncadd.s32 s4;
	_ =	sdelay $0x1  }
0xa1: {  	s23 =	simm.s32 $0x1B8B  }
0xa2: {  	_ =	swait.ge [sflag:s23], $0x1  }
0xa3: {  	[sflag:s23] =	ssyncset.done $0x0  }
0xa4: {  	s25 =	simm.s32 $0x1B8E;
	s24 =	sld [smem:$0x3FFE];
	[sflag:s23] =	ssyncadd.s32 $0xFFFFFFFF  }
0xa5: {  	s26 =	simm.s32 $execute0_lowered;
	[smem:$0x3FD2] =	sst s25  }
0xa6: {  	s5 =	sshll.u32 s26, $0x1;
	_ =	strace $0x80000046;
	[dreg:$0x1] =	wrdreg $0xFFFFFFFF  }
0xa7: {  	s28 =	simm.s32 $_size_execute0_lowered;
	s3 =	sadd.s32 s3, s5;
	[dreg:$0x0] =	wrdreg $0x0  }
0xa8: {  	s5 =	sshll.u32 s28, $0x1;
	[dreg:$0x2] =	wrdreg s3  }
0xa9: {  	[dreg:$0x3] =	wrdreg s5  }
0xaa: {  	[dreg:$0x4] =	wrdreg $0xC0  }
0xab: {  	_ =	task [dreg:s7], $0x5FFFF  }
0xac: {  	[dreg:$0x1] =	wrdreg $0xFFFFFFFF  }
0xad: {  	[dreg:$0x0] =	wrdreg $0x60  }
0xae: {  	[dreg:$0x2] =	wrdreg s2  }
0xaf: {  	[dreg:$0x3] =	wrdreg s24  }
0xb0: {  	[dreg:$0x4] =	wrdreg $0x9  }
0xb1: {  	_ =	task.clear_ibuf [dreg:s7], $0x5FFFF;
	_ =	strace $0x90000046  }
0xb2: {  	s29 =	simm.s32 $0x9;
	_ =	strace $0x80000048  }
0xb3: {  	_ =	swait.ge [sflag:s29], $0x1  }
0xb4: {  	[sflag:s29] =	ssyncadd.s32 $0xFFFFFFFF  }
0xb5: {  	_ =	strace $0x90000048  }
0xb6: {  	_ =	sfence  }
0xb7: {  	s30 =	sld [smem:$0x0];
	_ =	sdelay $0x2  }
0xb8: {  	s31 =	sshll.u32 s1, $0xD;
	s1 =	sshrl.u32 s1, $0x2  }
0xb9: {  	s3 =	sand.u32 $0x4000, s31;
	s1 =	sadd.s32 s1, s30  }
0xba: {  	s0 =	sor.u32 s3, s0;
	s1 =	sshll.u32 s1, $0x11  }
0xbb: {  	s0 =	sor.u32 s1, s0  }
0xbc: {  	s0 =	sadd.s32 $0x8F2B, s0  }
0xbd: {  	[sflag:s0] =	ssyncadd.remote.s32 $0x1  }
0xbe: {  	_ =	sfence.sel $0xFFFF  }
0xbf: {  	[dreg:$0x0] =	wrdreg $0xFFFFFFFF;
	(pc) =	sbr.abs _section_cstart, $3  }
0xc0: {  	[dreg:$0x1] =	wrdreg $0xFFFFFFFF  }
0xc1: {  	_ =	task.clear_ibuf [dreg:s7], $0x2FFFF;
	_ =	strace $0x9FFFFFFF  }
0xc2: {  	(tm) =	ssettm $0x7FFFFFFF  }
0xc3: {  	_ =	shalt  }
tec
execute0_lowered:
.L_overlay_start_1:
0x0: {  	(tag) =	ssettag $0x1  }
0x1: {  	s2 =	rddreg [dreg:$0x0];
	s1 =	srdreg.scid  }
0x2: {  	s0 =	stileid.u32;
	s5 =	rddreg [dreg:$0x1];
	s3 =	simm.s32 $0x0  }
0x3: {  	s17 =	simm.s32 $0x4F00;
	s18 =	simm.s32 $0x7700;
	s19 =	simm.s32 $0x6300  }
0x4: {  	s20 =	simm.s32 $0x27A8;
	s21 =	simm.s32 $0x8B00;
	s22 =	simm.s32 $0x1  }
0x5: {  	s23 =	simm.s32 $0x2;
	s24 =	simm.s32 $0x3;
	s25 =	simm.s32 $0x4  }
0x6: {  	s26 =	simm.s32 $0x0;
	s11 =	sand.u32 $0x1, s1;
	s4 =	sshll.u32 s0, $0x1  }
0x7: {  	[smem:$0x7FF] =	sst s3;
	s15 =	smul.u32 $0x4E200, s0;
	s6 =	sor.u32 s11, s4  }
0x8: {  	s12 =	sadd.s32 $0x3E600, s5;
	s13 =	sadd.s32 $0x520600, s5;
	s7 =	smul.u32 $0x2710, s6  }
0x9: {  	_ =	strace $0x80000047;
	s8 =	ssub.s32 $0x2, s11;
	s31 =	smul.u32 $0x27100, s6  }
0xa: {  	s4 =	sadd.s32 $0x17400, s5;
	s16 =	smul.u32 $0x27100, s11;
	s9 =	sshrl.u32 s8, $0x1  }
0xb: {  	s8 =	ssub.s32 s8, s9;
	s7 =	sshrl.u32 s7, $0x3;
	s14 =	sadd.s32 $0x280, s31  }
0xc: {  	s9 =	sadd.s32 s13, s31;
	s7 =	sadd.s32 s7, s5;
	s10 =	sadd.s32 s12, s14  }
0xd: {  	s11 =	sadd.s32 s13, s14;
	s13 =	sadd.s32 s15, s13;
	s14 =	simm.s32 $0x5  }
0xe: {  	s5 =	sadd.s32 $0xD600, s7;
	s6 =	sadd.s32 $0x3800, s7;
	s7 =	smax.u32 s8, $0x1  }
0xf: {  	s8 =	sadd.s32 s12, s31;
	s12 =	sadd.s32 s15, s12;
	s13 =	sadd.s32 s16, s13  }
0x10: {  	s15 =	simm.s32 $0x2780;
	s12 =	sadd.s32 s16, s12;
	s16 =	simm.s32 $0x28  }
.LBB2_1:
0x11: {  	[tilespmem:s3], [sflag:$0x5] =	stream.linear.gather [hbm4b:s5+s3], $0x2710, $0x38;
	[tilespmem:$0x9F00] =	vst v63  }
0x12: {  	_ =	swait.ge [sflag:s14], $0x2710  }
0x13: {  	[sflag:s14] =	ssyncset.done $0x0  }
0x14: {  	[sflag:s14] =	ssyncadd.s32 $0xFFFFD8F0  }
0x15: {  	[tilespmem:s15], [sflag:$0x5] =	stream.linear.gather [hbm4b:s6+s3], $0x2710, $0x38;
	[tilespmem:$0x9F00] =	vst v63  }
0x16: {  	_ =	swait.ge [sflag:s14], $0x2710  }
0x17: {  	[sflag:s14] =	ssyncset.done $0x0  }
0x18: {  	[sflag:s14] =	ssyncadd.s32 $0xFFFFD8F0  }
0x19: {  	[tilespmem:s17], [sflag:$0x1] =	stream.indirect.gather [hbm4b:s2+s16], $0x80, s3, s16, $0xb8;
	[tilespmem:$0x9F00] =	vst v63  }
0x1a: {  	_ = 	snop  }
0x1b: {  	[tilespmem:s18], [sflag:$0x1] =	stream.indirect.gather [hbm4b:s4+s16], $0x80, s15, s16, $0xb8;
	[tilespmem:$0x9F00] =	vst v63  }
0x1c: {  	_ = 	snop  }
0x1d: {  	[tilespmem:s19], [sflag:$0x2] =	stream.indirect.gather [hbm4b:s2+s16], $0x80, s16, s16, $0xb8;
	[tilespmem:$0x9F00] =	vst v63  }
0x1e: {  	_ = 	snop  }
0x1f: {  	[tilespmem:s21], [sflag:$0x2] =	stream.indirect.gather [hbm4b:s4+s16], $0x80, s20, s16, $0xb8;
	[tilespmem:$0x9F00] =	vst v63  }
0x20: {  	_ =	swait.ge [sflag:s22], $0x1400  }
0x21: {  	[sflag:s22] =	ssyncset.done $0x0  }
0x22: {  	[sflag:s22] =	ssyncadd.s32 $0xFFFFEC00  }
0x23: {  	_ =	swait.ge [sflag:s22], $0x1400  }
0x24: {  	[sflag:s22] =	ssyncset.done $0x0  }
0x25: {  	[sflag:s22] =	ssyncadd.s32 $0xFFFFEC00  }
0x26: {  	[hbm4b:s8+s3] =	stream.linear.scatter [tilespmem:s17], [sflag:$0x3], $0x1400, $0x38;
	[tilespmem:$0x9F00] =	vst v63  }
0x27: {  	_ = 	snop  }
0x28: {  	[hbm4b:s9+s3] =	stream.linear.scatter [tilespmem:s18], [sflag:$0x3], $0x1400, $0x38;
	[tilespmem:$0x9F00] =	vst v63  }
0x29: {  	_ =	swait.ge [sflag:s23], $0x1400  }
0x2a: {  	[sflag:s23] =	ssyncset.done $0x0  }
0x2b: {  	[sflag:s23] =	ssyncadd.s32 $0xFFFFEC00  }
0x2c: {  	_ =	swait.ge [sflag:s23], $0x1400  }
0x2d: {  	[sflag:s23] =	ssyncset.done $0x0  }
0x2e: {  	[sflag:s23] =	ssyncadd.s32 $0xFFFFEC00  }
0x2f: {  	[hbm4b:s10+s3] =	stream.linear.scatter [tilespmem:s19], [sflag:$0x4], $0x1400, $0x38;
	[tilespmem:$0x9F00] =	vst v63  }
0x30: {  	_ = 	snop  }
0x31: {  	[hbm4b:s11+s3] =	stream.linear.scatter [tilespmem:s21], [sflag:$0x4], $0x1400, $0x38;
	[tilespmem:$0x9F00] =	vst v63  }
0x32: {  	_ =	swait.ge [sflag:s24], $0x1400  }
0x33: {  	[sflag:s24] =	ssyncset.done $0x0  }
0x34: {  	[sflag:s24] =	ssyncadd.s32 $0xFFFFEC00  }
0x35: {  	_ =	swait.ge [sflag:s24], $0x1400  }
0x36: {  	[sflag:s24] =	ssyncset.done $0x0  }
0x37: {  	s28 =	simm.s32 $0x50;
	[sflag:s24] =	ssyncadd.s32 $0xFFFFEC00  }
0x38: {  	[tilespmem:s17], [sflag:$0x1] =	stream.indirect.gather [hbm4b:s2+s16], $0x80, s28, s16, $0xb8;
	[tilespmem:$0x9F00] =	vst v63  }
0x39: {  	s28 =	simm.s32 $0x27D0  }
0x3a: {  	[tilespmem:s18], [sflag:$0x1] =	stream.indirect.gather [hbm4b:s4+s16], $0x80, s28, s16, $0xb8;
	[tilespmem:$0x9F00] =	vst v63  }
0x3b: {  	_ =	swait.ge [sflag:s25], $0x1400  }
0x3c: {  	[sflag:s25] =	ssyncset.done $0x0  }
0x3d: {  	[sflag:s25] =	ssyncadd.s32 $0xFFFFEC00  }
0x3e: {  	_ =	swait.ge [sflag:s25], $0x1400  }
0x3f: {  	[sflag:s25] =	ssyncset.done $0x0  }
0x40: {  	s28 =	simm.s32 $0x78;
	[sflag:s25] =	ssyncadd.s32 $0xFFFFEC00  }
0x41: {  	[tilespmem:s19], [sflag:$0x2] =	stream.indirect.gather [hbm4b:s2+s16], $0x80, s28, s16, $0xb8;
	[tilespmem:$0x9F00] =	vst v63  }
0x42: {  	s28 =	simm.s32 $0x27F8  }
0x43: {  	[tilespmem:s21], [sflag:$0x2] =	stream.indirect.gather [hbm4b:s4+s16], $0x80, s28, s16, $0xb8;
	[tilespmem:$0x9F00] =	vst v63  }
0x44: {  	_ =	swait.ge [sflag:s22], $0x1400  }
0x45: {  	[sflag:s22] =	ssyncset.done $0x0  }
0x46: {  	[sflag:s22] =	ssyncadd.s32 $0xFFFFEC00  }
0x47: {  	_ =	swait.ge [sflag:s22], $0x1400  }
0x48: {  	s28 =	sadd.s32 $0x0, s12;
	[sflag:s22] =	ssyncset.done $0x0  }
0x49: {  	s30 =	sadd.s32 $0x0, s13;
	s29 =	sadd.s32 $0x500, s28;
	[sflag:s22] =	ssyncadd.s32 $0xFFFFEC00  }
0x4a: {  	[hbm4b:s29+s3] =	stream.linear.scatter [tilespmem:s17], [sflag:$0x3], $0x1400, $0x38;
	[tilespmem:$0x9F00] =	vst v63  }
0x4b: {  	s29 =	sadd.s32 $0x500, s30  }
0x4c: {  	[hbm4b:s29+s3] =	stream.linear.scatter [tilespmem:s18], [sflag:$0x3], $0x1400, $0x38;
	[tilespmem:$0x9F00] =	vst v63  }
0x4d: {  	_ =	swait.ge [sflag:s23], $0x1400  }
0x4e: {  	[sflag:s23] =	ssyncset.done $0x0  }
0x4f: {  	[sflag:s23] =	ssyncadd.s32 $0xFFFFEC00  }
0x50: {  	_ =	swait.ge [sflag:s23], $0x1400  }
0x51: {  	[sflag:s23] =	ssyncset.done $0x0  }
0x52: {  	s31 =	sadd.s32 $0x780, s30;
	s28 =	sadd.s32 $0x780, s28;
	[sflag:s23] =	ssyncadd.s32 $0xFFFFEC00  }
0x53: {  	[hbm4b:s28+s3] =	stream.linear.scatter [tilespmem:s19], [sflag:$0x4], $0x1400, $0x38;
	[tilespmem:$0x9F00] =	vst v63  }
0x54: {  	s30 =	simm.s32 $0x2848;
	s29 =	simm.s32 $0xC8;
	s28 =	simm.s32 $0x500  }
.LBB2_2:
0x55: {  	[hbm4b:s31+s3] =	stream.linear.scatter [tilespmem:s21], [sflag:$0x4], $0x1400, $0x38;
	[tilespmem:$0x9F00] =	vst v63  }
0x56: {  	s31 =	smov.u32 s28  }
0x57: {  	p0 =	sne.s32 s28, $0x26700;
	s28 =	sadd.s32 $0x500, s28;
	_ =	swait.ge [sflag:s24], $0x1400  }
0x58: {  	[sflag:s24] =	ssyncset.done $0x0  }
0x59: {  	[sflag:s24] =	ssyncadd.s32 $0xFFFFEC00  }
0x5a: {  	_ =	swait.ge [sflag:s24], $0x1400  }
0x5b: {  	[sflag:s24] =	ssyncset.done $0x0  }
0x5c: {  	s1 =	sadd.s32 $0xFFFFFFD8, s29;
	[sflag:s24] =	ssyncadd.s32 $0xFFFFEC00  }
0x5d: {  	[tilespmem:s17], [sflag:$0x1] =	stream.indirect.gather [hbm4b:s2+s16], $0x80, s1, s16, $0xb8;
	[tilespmem:$0x9F00] =	vst v63  }
0x5e: {  	s1 =	sadd.s32 $0xFFFFFFD8, s30  }
0x5f: {  	[tilespmem:s18], [sflag:$0x1] =	stream.indirect.gather [hbm4b:s4+s16], $0x80, s1, s16, $0xb8;
	[tilespmem:$0x9F00] =	vst v63  }
0x60: {  	_ =	swait.ge [sflag:s25], $0x1400  }
0x61: {  	[sflag:s25] =	ssyncset.done $0x0  }
0x62: {  	[sflag:s25] =	ssyncadd.s32 $0xFFFFEC00  }
0x63: {  	_ =	swait.ge [sflag:s25], $0x1400  }
0x64: {  	[sflag:s25] =	ssyncset.done $0x0  }
0x65: {  	[sflag:s25] =	ssyncadd.s32 $0xFFFFEC00  }
0x66: {  	[tilespmem:s19], [sflag:$0x2] =	stream.indirect.gather [hbm4b:s2+s16], $0x80, s29, s16, $0xb8;
	[tilespmem:$0x9F00] =	vst v63  }
0x67: {  	_ = 	snop  }
0x68: {  	[tilespmem:s21], [sflag:$0x2] =	stream.indirect.gather [hbm4b:s4+s16], $0x80, s30, s16, $0xb8;
	[tilespmem:$0x9F00] =	vst v63  }
0x69: {  	_ =	swait.ge [sflag:s22], $0x1400  }
0x6a: {  	[sflag:s22] =	ssyncset.done $0x0  }
0x6b: {  	[sflag:s22] =	ssyncadd.s32 $0xFFFFEC00  }
0x6c: {  	_ =	swait.ge [sflag:s22], $0x1400  }
0x6d: {  	s1 =	sadd.s32 s31, s12;
	[sflag:s22] =	ssyncset.done $0x0  }
0x6e: {  	s31 =	sadd.s32 s31, s13;
	s0 =	sadd.s32 $0x500, s1;
	[sflag:s22] =	ssyncadd.s32 $0xFFFFEC00  }
0x6f: {  	[hbm4b:s0+s3] =	stream.linear.scatter [tilespmem:s17], [sflag:$0x3], $0x1400, $0x38;
	[tilespmem:$0x9F00] =	vst v63  }
0x70: {  	s0 =	sadd.s32 $0x500, s31  }
0x71: {  	[hbm4b:s0+s3] =	stream.linear.scatter [tilespmem:s18], [sflag:$0x3], $0x1400, $0x38;
	[tilespmem:$0x9F00] =	vst v63  }
0x72: {  	_ =	swait.ge [sflag:s23], $0x1400  }
0x73: {  	[sflag:s23] =	ssyncset.done $0x0  }
0x74: {  	[sflag:s23] =	ssyncadd.s32 $0xFFFFEC00  }
.Ltmp0:
0x75: {  	_ =	swait.ge [sflag:s23], $0x1400;
	(pc) =	sbr.rel @p0 .LBB2_2-.Ltmp0, $4  }
0x76: {  	[sflag:s23] =	ssyncset.done $0x0  }
0x77: {  	s0 =	sadd.s32 $0x780, s1;
	[sflag:s23] =	ssyncadd.s32 $0xFFFFEC00  }
0x78: {  	[hbm4b:s0+s3] =	stream.linear.scatter [tilespmem:s19], [sflag:$0x4], $0x1400, $0x38;
	[tilespmem:$0x9F00] =	vst v63  }
0x79: {  	s29 =	sadd.s32 $0x50, s29;
	s30 =	sadd.s32 $0x50, s30;
	s31 =	sadd.s32 $0x780, s31  }
0x7a: {  	[hbm4b:s31+s3] =	stream.linear.scatter [tilespmem:s21], [sflag:$0x4], $0x1400, $0x38;
	[tilespmem:$0x9F00] =	vst v63  }
0x7b: {  	_ =	swait.ge [sflag:s24], $0x1400  }
0x7c: {  	[sflag:s24] =	ssyncset.done $0x0  }
0x7d: {  	[sflag:s24] =	ssyncadd.s32 $0xFFFFEC00  }
0x7e: {  	_ =	swait.ge [sflag:s24], $0x1400  }
0x7f: {  	[sflag:s24] =	ssyncset.done $0x0  }
0x80: {  	s26 =	sadd.s32 $0x1, s26;
	[sflag:s24] =	ssyncadd.s32 $0xFFFFEC00  }
0x81: {  	p0 =	sne.s32 s26, s7;
	_ =	swait.ge [sflag:s25], $0x1400  }
.Ltmp1:
0x82: {  	[sflag:s25] =	ssyncset.done $0x0;
	(pc) =	sbr.rel @p0 .LBB2_1-.Ltmp1, $4  }
0x83: {  	[sflag:s25] =	ssyncadd.s32 $0xFFFFEC00  }
0x84: {  	_ =	swait.ge [sflag:s25], $0x1400  }
0x85: {  	[sflag:s25] =	ssyncset.done $0x0  }
0x86: {  	[sflag:s25] =	ssyncadd.s32 $0xFFFFEC00  }
0x87: {  	_ =	sfence.sel $0x180000  }
0x88: {  	[bflag:$0x0] =	sbarrier.arrive $0xFFFF  }
0x89: {  	_ =	strace $0x90000047  }
0x8a: {  	s0 =	stileid.u32;
	[bflag:$0x2] =	sbarrier.arrive $0xFFFF  }
0x8b: {  	p0 =	sne.s32 s0, $0x0;
	s0 =	rddreg [dreg:$0x2]  }
0x8c: {  	s0 =	sadd.s32 @!p0 $0x100000, s0  }
0x8d: {  	[sflag:s0] =	ssyncadd.tile.s32 @!p0 $0x1;
	_ =	shalt  }
.Lfunc_end2:
_tile_overlayer_lowered:
.L_overlay_start_2:
0x8e: {  	(tag) =	ssettag $0x2  }
0x8f: {  	s0 =	rddreg [dreg:$0x0];
	s2 =	stileid.u32  }
0x90: {  	s1 =	rddreg [dreg:$0x1];
	p0 =	sne.s32 s2, $0x0  }
0x91: {  	s3 =	rddreg [dreg:$0x2];
	[bflag:$0x3] =	sbarrier.arrive $0xFFFF;
	s2 =	simm.s32 @!p0 $0x1C05  }
0x92: {  	[timem:s3], [sflag:s2] =	dma.local @!p0 [hbm:s0], s1  }
0x93: {  	s0 =	simm.s32 @!p0 $0x5  }
0x94: {  	_ =	swait.ge @!p0 [sflag:s0], s1  }
0x95: {  	s1 =	ssub.s32 @!p0 $0x0, s1;
	[sflag:s0] =	ssyncset.done @!p0 $0x0  }
0x96: {  	[sflag:s0] =	ssyncadd.s32 @!p0 s1  }
0x97: {  	[bflag:$0x3] =	sbarrier.arrive $0xFFFF  }
0x98: {  	_ =	shalt  }

</sc_bundles>
